<compile_context>
chip_gen: v7x
topology: tpu7x:2x2x1
jax: 0.10.2.dev20260603
libtpu: 0.0.44.dev20260713+nightly
codegen_flags: <defaults>
</compile_context>

<pallas_src>
import functools

import jax
import jax.numpy as jnp
from jax import lax
from jax.experimental import pallas as pl
from jax.experimental.pallas import tpu as pltpu
from jax.experimental.pallas import tpu_sc as plsc

_B, _MAXGT, _F = 16, 120, 5
_A, _C = 8400, 6
_GRP_VREGS = 8
_CLS_VREGS = _A // 16


def _sc_body(lab_hbm, out_hbm, loss_hbm,
             lab_v, cnt_v, cnt_all_v, chunk_v, part_v, out_v,
             shr_cnt, shr_loss):
    cid = lax.axis_index("c")
    sid = lax.axis_index("s")
    lanes = lax.iota(jnp.int32, 16)
    zeros16 = jnp.zeros((16,), jnp.float32)

    @pl.when(cid == 0)
    def _core0():
        for f in range(_F):
            lab_v[f, pl.ds(112, 16)] = zeros16
            pltpu.sync_copy(
                lab_hbm.at[pl.ds(f * _B * _MAXGT + sid * _MAXGT, _MAXGT)],
                lab_v.at[f, pl.ds(0, _MAXGT)])

        def grp_step(j, cnt):
            s = zeros16
            for f in range(_F):
                s = s + lab_v[f, pl.ds(j * 16, 16)]
            return cnt + jnp.where(s > 0.0, 1.0, 0.0)

        cnt = lax.fori_loop(0, _GRP_VREGS, grp_step, zeros16)

        cnt_v[...] = cnt
        pltpu.sync_copy(cnt_v, shr_cnt.at[sid])
        plsc.subcore_barrier()
        pltpu.sync_copy(shr_cnt, cnt_all_v)
        total = zeros16
        for i in range(16):
            total = total + cnt_all_v[i]
        ngt = jnp.sum(total)

        part_v[...] = zeros16

        @pl.when(ngt > 0.0)
        def _dense():
            pltpu.sync_copy(out_hbm.at[pl.ds(sid * _A, _A)], chunk_v)

            def cls_step(j, acc):
                x = chunk_v[pl.ds(j * 16, 16)]
                t = jnp.exp(-jnp.abs(x))
                log1p_t = t * (1.0 + t * (-0.5 + t * (1.0 / 3.0
                                                      + t * (-0.25 + t * 0.2))))
                bce = jnp.maximum(x, 0.0) + log1p_t
                fg = zeros16
                return acc + bce * fg

            acc = lax.fori_loop(0, _CLS_VREGS, cls_step, zeros16)
            part_v[...] = acc

        pltpu.sync_copy(part_v, shr_loss.at[sid])
        plsc.subcore_barrier()

        @pl.when(sid == 0)
        def _finalize():
            pltpu.sync_copy(shr_loss, cnt_all_v)
            tot = zeros16
            for i in range(16):
                tot = tot + cnt_all_v[i]
            loss = jnp.sum(tot)
            out_v[...] = jnp.where(lanes == 0, loss, 0.0)
            pltpu.sync_copy(out_v, loss_hbm)


def kernel(y, imgs, x_shifts, y_shifts, expanded_strides, labels, outputs,
           origin_preds):
    mesh = plsc.VectorSubcoreMesh(core_axis_name="c", subcore_axis_name="s")
    k = functools.partial(
        pl.kernel,
        mesh=mesh,
        compiler_params=pltpu.CompilerParams(
            needs_layout_passes=False, use_tc_tiling_on_sc=False),
        out_type=jax.ShapeDtypeStruct((16,), jnp.float32),
        scratch_types=[
            pltpu.VMEM((_F, 128), jnp.float32),
            pltpu.VMEM((16,), jnp.float32),
            pltpu.VMEM((16, 16), jnp.float32),
            pltpu.VMEM((_A,), jnp.float32),
            pltpu.VMEM((16,), jnp.float32),
            pltpu.VMEM((16,), jnp.float32),
            pltpu.VMEM_SHARED((16, 16), jnp.float32),
            pltpu.VMEM_SHARED((16, 16), jnp.float32),
        ],
    )(_sc_body)
    lab_planar = jnp.transpose(labels, (2, 0, 1)).reshape(_F * _B * _MAXGT)
    cls_plane = jnp.transpose(outputs, (2, 0, 1))[_C - 1].reshape(_B * _A)
    res = k(lab_planar, cls_plane)
    return res[0]

# --- scband reference (transcript-rebuilt; emitter-appended) ---
"""Pipeline reference for scband-loss-40389872451982 (READ-ONLY COPY).

The authoritative reference and input builder live on the scoring server;
editing this copy changes nothing except your own understanding.
"""

import jax, jax.numpy as jnp
import numpy as np


def setup_inputs(seed: int = 0) -> dict:
    key = jax.random.key(seed)
    ks = jax.random.split(key, 4)
    B, A, NC, MAXGT = 16, 8400, 1, 120
    y = jnp.zeros((1,), jnp.float32)
    imgs = jax.random.normal(ks[0], (B, 3, 640, 640), jnp.float32)
    x_shifts = jax.random.uniform(ks[1], (1, A), jnp.float32)
    y_shifts = jax.random.uniform(ks[2], (1, A), jnp.float32)
    expanded_strides = jnp.ones((1, A), jnp.float32)
    labels = jnp.zeros((B, MAXGT, 5), jnp.float32)
    outputs = jax.random.normal(ks[3], (B, A, 5 + NC), jnp.float32)
    origin_preds = jnp.zeros((1,), jnp.float32)
    return {
        "y": y,
        "imgs": imgs,
        "x_shifts": x_shifts,
        "y_shifts": y_shifts,
        "expanded_strides": expanded_strides,
        "labels": labels,
        "outputs": outputs,
        "origin_preds": origin_preds,
    }


def reference(y, imgs, x_shifts, y_shifts, expanded_strides, labels, outputs, origin_preds):
    num_classes = 1
    bbox_preds = outputs[:, :, :4]
    obj_preds = outputs[:, :, 4:5]
    cls_preds = outputs[:, :, 5:]
    # mixup check (static shape): labels.shape[2] == 5 -> no mixup
    label_cut = labels[..., :5] if labels.shape[2] > 5 else labels
    nlabel = (label_cut.sum(axis=2) > 0).sum(axis=1)  # all zeros for zero-GT inputs
    B = outputs.shape[0]
    total_num_anchors = outputs.shape[1]
    # single-scale shift tensors: torch.cat over a length-1 list is identity
    xs = x_shifts
    ys = y_shifts
    es = expanded_strides
    # Every image has num_gt == 0, so the per-image branch produces an empty
    # cls_target [(0, num_classes)] and an all-False fg_mask [total_num_anchors].
    # Concatenated: fg_masks all False over B*A anchors, cls_targets empty.
    # Equivalent mask-based formulation (dense targets are zeros where masked out):
    fg_masks = jnp.zeros((B * total_num_anchors,), dtype=bool)
    cls_targets = jnp.zeros((B * total_num_anchors, num_classes), dtype=outputs.dtype)
    num_fg = 1.0  # max(0.0, 1)
    logits = cls_preds.reshape(-1, num_classes)
    # BCEWithLogitsLoss(reduction='none'), numerically stable form
    bce = jnp.maximum(logits, 0.0) - logits * cls_targets + jnp.log1p(jnp.exp(-jnp.abs(logits)))
    loss_cls = (bce * fg_masks[:, None].astype(bce.dtype)).sum() / num_fg
    loss = loss_cls
    return loss

if __name__ == "__main__":
    import jax
    _d = setup_inputs()
    print(jax.jit(kernel)(*tuple(_d.values())))

</pallas_src>

<mosaic_0001>
#map = affine_map<(d0, d1) -> (0)>
module attributes {stable_mosaic.version = 14 : i64} {
  func.func @_sc_body(%arg0: i32, %arg1: i32, %arg2: memref<9600xf32, #tpu.memory_space<hbm>>, %arg3: memref<134400xf32, #tpu.memory_space<hbm>>, %arg4: memref<16xf32, #tpu.memory_space<hbm>>, %arg5: memref<5x128xf32, #tpu.memory_space<vmem>>, %arg6: memref<16xf32, #tpu.memory_space<vmem>>, %arg7: memref<16x16xf32, #tpu.memory_space<vmem>>, %arg8: memref<8400xf32, #tpu.memory_space<vmem>>, %arg9: memref<16xf32, #tpu.memory_space<vmem>>, %arg10: memref<16xf32, #tpu.memory_space<vmem>>, %arg11: memref<16x16xf32, #tpu.memory_space<vmem_shared>>, %arg12: memref<16x16xf32, #tpu.memory_space<vmem_shared>>) attributes {dimension_semantics = [#tpu.dimension_semantics<core_parallel>, #tpu.dimension_semantics<subcore_parallel>], iteration_bounds = array<i64: 2, 16>, scalar_prefetch = 0 : i64, scratch_operands = 8 : i64, tpu.core_type = #tpu.core_type<sc_vector_subcore>, window_params = [{transform_indices = #map}, {transform_indices = #map}, {transform_indices = #map}]} {
    %iota3A = tpu.iota {dimensions = array<i32: 0>} : vector<16xi32>
    %broadcast_in_dim3A = arith.constant 0.000000e+00 : f32
    %broadcast_in_dim3A_0 = vector.broadcast %broadcast_in_dim3A : f32 to vector<16xf32>
    %eq3A = arith.constant 0 : i32
    %eq3A_1 = arith.cmpi eq, %arg0, %eq3A : i32
    %convert_element_type3A = arith.extui %eq3A_1 : i1 to i32
    %cond3A = arith.constant 0 : i32
    %cond3A_2 = arith.cmpi ne, %convert_element_type3A, %cond3A : i32
    scf.if %cond3A_2 {
      %swap3A = arith.constant 0 : i32
      %swap3A_3 = arith.index_cast %swap3A : i32 to index
      %swap3A_4 = arith.constant 112 : index
      %swap3A_5 = tpu.vector_load %arg5[%swap3A_3, %swap3A_4] {strides = array<i32>} : memref<5x128xf32, #tpu.memory_space<vmem>>, vector<16xf32>,
      tpu.vector_store %arg5[%swap3A_3, %swap3A_4], %broadcast_in_dim3A_0 {strides = array<i32>} : memref<5x128xf32, #tpu.memory_space<vmem>>, vector<16xf32>,
      %mul3A = arith.constant 120 : i32
      %mul3A_6 = arith.muli %arg1, %mul3A : i32
      %add3A = arith.constant 0 : i32
      %add3A_7 = arith.addi %add3A, %mul3A_6 : i32
      %run_scoped3A = arith.constant 0 : i32
      "tpu.region"() ({
        %run_scoped3A_145 = tpu.sem_alloc : memref<!tpu.dma_semaphore, #tpu.memory_space<semaphore_mem>>
        %dma_start3A = arith.constant 0 : i32
        %dma_start3A_146 = tpu.memref_slice %arg5[%run_scoped3A, %dma_start3A] : memref<5x128xf32, #tpu.memory_space<vmem>> -> memref<1x120xf32, #tpu.memory_space<vmem>>
        %dma_start3A_147 = tpu.memref_squeeze %dma_start3A_146 : memref<1x120xf32, #tpu.memory_space<vmem>> -> memref<120xf32, #tpu.memory_space<vmem>>
        %dma_start3A_148 = tpu.memref_slice %arg2[%add3A_7] : memref<9600xf32, #tpu.memory_space<hbm>> -> memref<120xf32, #tpu.memory_space<hbm>>
        %dma_start3A_149 = arith.constant 0 : i32
        %dma_start3A_150 = tpu.memref_slice %arg5[%run_scoped3A, %dma_start3A_149] : memref<5x128xf32, #tpu.memory_space<vmem>> -> memref<1x120xf32, #tpu.memory_space<vmem>>
        %dma_start3A_151 = tpu.memref_squeeze %dma_start3A_150 : memref<1x120xf32, #tpu.memory_space<vmem>> -> memref<120xf32, #tpu.memory_space<vmem>>
        %dma_start3A_152 = tpu.memref_slice %arg2[%add3A_7] : memref<9600xf32, #tpu.memory_space<hbm>> -> memref<120xf32, #tpu.memory_space<hbm>>
        tpu.enqueue_dma source(%dma_start3A_152 : memref<120xf32, #tpu.memory_space<hbm>>) target(%dma_start3A_151 : memref<120xf32, #tpu.memory_space<vmem>>) target_semaphore(%run_scoped3A_145 : memref<!tpu.dma_semaphore, #tpu.memory_space<semaphore_mem>>)
        %dma_wait3A = arith.constant 0 : i32
        %dma_wait3A_153 = tpu.memref_slice %arg5[%run_scoped3A, %dma_wait3A] : memref<5x128xf32, #tpu.memory_space<vmem>> -> memref<1x120xf32, #tpu.memory_space<vmem>>
        %dma_wait3A_154 = tpu.memref_squeeze %dma_wait3A_153 : memref<1x120xf32, #tpu.memory_space<vmem>> -> memref<120xf32, #tpu.memory_space<vmem>>
        %dma_wait3A_155 = tpu.memref_slice %arg2[%add3A_7] : memref<9600xf32, #tpu.memory_space<hbm>> -> memref<120xf32, #tpu.memory_space<hbm>>
        %dma_wait3A_156 = arith.constant 0 : i32
        %dma_wait3A_157 = tpu.memref_slice %arg5[%run_scoped3A, %dma_wait3A_156] : memref<5x128xf32, #tpu.memory_space<vmem>> -> memref<1x120xf32, #tpu.memory_space<vmem>>
        %dma_wait3A_158 = tpu.memref_squeeze %dma_wait3A_157 : memref<1x120xf32, #tpu.memory_space<vmem>> -> memref<120xf32, #tpu.memory_space<vmem>>
        %dma_wait3A_159 = tpu.memref_slice %arg2[%add3A_7] : memref<9600xf32, #tpu.memory_space<hbm>> -> memref<120xf32, #tpu.memory_space<hbm>>
        tpu.wait_dma2 semaphore(%run_scoped3A_145 : memref<!tpu.dma_semaphore, #tpu.memory_space<semaphore_mem>>) src(%dma_wait3A_159 : memref<120xf32, #tpu.memory_space<hbm>>) dst(%dma_wait3A_158 : memref<120xf32, #tpu.memory_space<vmem>>)
        tpu.yield
      }) : () -> ()
      %swap3A_8 = arith.constant 1 : i32
      %swap3A_9 = arith.index_cast %swap3A_8 : i32 to index
      %swap3A_10 = arith.constant 112 : index
      %swap3A_11 = tpu.vector_load %arg5[%swap3A_9, %swap3A_10] {strides = array<i32>} : memref<5x128xf32, #tpu.memory_space<vmem>>, vector<16xf32>,
      tpu.vector_store %arg5[%swap3A_9, %swap3A_10], %broadcast_in_dim3A_0 {strides = array<i32>} : memref<5x128xf32, #tpu.memory_space<vmem>>, vector<16xf32>,
      %mul3A_12 = arith.constant 120 : i32
      %mul3A_13 = arith.muli %arg1, %mul3A_12 : i32
      %add3A_14 = arith.constant 1920 : i32
      %add3A_15 = arith.addi %add3A_14, %mul3A_13 : i32
      %run_scoped3A_16 = arith.constant 1 : i32
      "tpu.region"() ({
        %run_scoped3A_145 = tpu.sem_alloc : memref<!tpu.dma_semaphore, #tpu.memory_space<semaphore_mem>>
        %dma_start3A = arith.constant 0 : i32
        %dma_start3A_146 = tpu.memref_slice %arg5[%run_scoped3A_16, %dma_start3A] : memref<5x128xf32, #tpu.memory_space<vmem>> -> memref<1x120xf32, #tpu.memory_space<vmem>>
        %dma_start3A_147 = tpu.memref_squeeze %dma_start3A_146 : memref<1x120xf32, #tpu.memory_space<vmem>> -> memref<120xf32, #tpu.memory_space<vmem>>
        %dma_start3A_148 = tpu.memref_slice %arg2[%add3A_15] : memref<9600xf32, #tpu.memory_space<hbm>> -> memref<120xf32, #tpu.memory_space<hbm>>
        %dma_start3A_149 = arith.constant 0 : i32
        %dma_start3A_150 = tpu.memref_slice %arg5[%run_scoped3A_16, %dma_start3A_149] : memref<5x128xf32, #tpu.memory_space<vmem>> -> memref<1x120xf32, #tpu.memory_space<vmem>>
        %dma_start3A_151 = tpu.memref_squeeze %dma_start3A_150 : memref<1x120xf32, #tpu.memory_space<vmem>> -> memref<120xf32, #tpu.memory_space<vmem>>
        %dma_start3A_152 = tpu.memref_slice %arg2[%add3A_15] : memref<9600xf32, #tpu.memory_space<hbm>> -> memref<120xf32, #tpu.memory_space<hbm>>
        tpu.enqueue_dma source(%dma_start3A_152 : memref<120xf32, #tpu.memory_space<hbm>>) target(%dma_start3A_151 : memref<120xf32, #tpu.memory_space<vmem>>) target_semaphore(%run_scoped3A_145 : memref<!tpu.dma_semaphore, #tpu.memory_space<semaphore_mem>>)
        %dma_wait3A = arith.constant 0 : i32
        %dma_wait3A_153 = tpu.memref_slice %arg5[%run_scoped3A_16, %dma_wait3A] : memref<5x128xf32, #tpu.memory_space<vmem>> -> memref<1x120xf32, #tpu.memory_space<vmem>>
        %dma_wait3A_154 = tpu.memref_squeeze %dma_wait3A_153 : memref<1x120xf32, #tpu.memory_space<vmem>> -> memref<120xf32, #tpu.memory_space<vmem>>
        %dma_wait3A_155 = tpu.memref_slice %arg2[%add3A_15] : memref<9600xf32, #tpu.memory_space<hbm>> -> memref<120xf32, #tpu.memory_space<hbm>>
        %dma_wait3A_156 = arith.constant 0 : i32
        %dma_wait3A_157 = tpu.memref_slice %arg5[%run_scoped3A_16, %dma_wait3A_156] : memref<5x128xf32, #tpu.memory_space<vmem>> -> memref<1x120xf32, #tpu.memory_space<vmem>>
        %dma_wait3A_158 = tpu.memref_squeeze %dma_wait3A_157 : memref<1x120xf32, #tpu.memory_space<vmem>> -> memref<120xf32, #tpu.memory_space<vmem>>
        %dma_wait3A_159 = tpu.memref_slice %arg2[%add3A_15] : memref<9600xf32, #tpu.memory_space<hbm>> -> memref<120xf32, #tpu.memory_space<hbm>>
        tpu.wait_dma2 semaphore(%run_scoped3A_145 : memref<!tpu.dma_semaphore, #tpu.memory_space<semaphore_mem>>) src(%dma_wait3A_159 : memref<120xf32, #tpu.memory_space<hbm>>) dst(%dma_wait3A_158 : memref<120xf32, #tpu.memory_space<vmem>>)
        tpu.yield
      }) : () -> ()
      %swap3A_17 = arith.constant 2 : i32
      %swap3A_18 = arith.index_cast %swap3A_17 : i32 to index
      %swap3A_19 = arith.constant 112 : index
      %swap3A_20 = tpu.vector_load %arg5[%swap3A_18, %swap3A_19] {strides = array<i32>} : memref<5x128xf32, #tpu.memory_space<vmem>>, vector<16xf32>,
      tpu.vector_store %arg5[%swap3A_18, %swap3A_19], %broadcast_in_dim3A_0 {strides = array<i32>} : memref<5x128xf32, #tpu.memory_space<vmem>>, vector<16xf32>,
      %mul3A_21 = arith.constant 120 : i32
      %mul3A_22 = arith.muli %arg1, %mul3A_21 : i32
      %add3A_23 = arith.constant 3840 : i32
      %add3A_24 = arith.addi %add3A_23, %mul3A_22 : i32
      %run_scoped3A_25 = arith.constant 2 : i32
      "tpu.region"() ({
        %run_scoped3A_145 = tpu.sem_alloc : memref<!tpu.dma_semaphore, #tpu.memory_space<semaphore_mem>>
        %dma_start3A = arith.constant 0 : i32
        %dma_start3A_146 = tpu.memref_slice %arg5[%run_scoped3A_25, %dma_start3A] : memref<5x128xf32, #tpu.memory_space<vmem>> -> memref<1x120xf32, #tpu.memory_space<vmem>>
        %dma_start3A_147 = tpu.memref_squeeze %dma_start3A_146 : memref<1x120xf32, #tpu.memory_space<vmem>> -> memref<120xf32, #tpu.memory_space<vmem>>
        %dma_start3A_148 = tpu.memref_slice %arg2[%add3A_24] : memref<9600xf32, #tpu.memory_space<hbm>> -> memref<120xf32, #tpu.memory_space<hbm>>
        %dma_start3A_149 = arith.constant 0 : i32
        %dma_start3A_150 = tpu.memref_slice %arg5[%run_scoped3A_25, %dma_start3A_149] : memref<5x128xf32, #tpu.memory_space<vmem>> -> memref<1x120xf32, #tpu.memory_space<vmem>>
        %dma_start3A_151 = tpu.memref_squeeze %dma_start3A_150 : memref<1x120xf32, #tpu.memory_space<vmem>> -> memref<120xf32, #tpu.memory_space<vmem>>
        %dma_start3A_152 = tpu.memref_slice %arg2[%add3A_24] : memref<9600xf32, #tpu.memory_space<hbm>> -> memref<120xf32, #tpu.memory_space<hbm>>
        tpu.enqueue_dma source(%dma_start3A_152 : memref<120xf32, #tpu.memory_space<hbm>>) target(%dma_start3A_151 : memref<120xf32, #tpu.memory_space<vmem>>) target_semaphore(%run_scoped3A_145 : memref<!tpu.dma_semaphore, #tpu.memory_space<semaphore_mem>>)
        %dma_wait3A = arith.constant 0 : i32
        %dma_wait3A_153 = tpu.memref_slice %arg5[%run_scoped3A_25, %dma_wait3A] : memref<5x128xf32, #tpu.memory_space<vmem>> -> memref<1x120xf32, #tpu.memory_space<vmem>>
        %dma_wait3A_154 = tpu.memref_squeeze %dma_wait3A_153 : memref<1x120xf32, #tpu.memory_space<vmem>> -> memref<120xf32, #tpu.memory_space<vmem>>
        %dma_wait3A_155 = tpu.memref_slice %arg2[%add3A_24] : memref<9600xf32, #tpu.memory_space<hbm>> -> memref<120xf32, #tpu.memory_space<hbm>>
        %dma_wait3A_156 = arith.constant 0 : i32
        %dma_wait3A_157 = tpu.memref_slice %arg5[%run_scoped3A_25, %dma_wait3A_156] : memref<5x128xf32, #tpu.memory_space<vmem>> -> memref<1x120xf32, #tpu.memory_space<vmem>>
        %dma_wait3A_158 = tpu.memref_squeeze %dma_wait3A_157 : memref<1x120xf32, #tpu.memory_space<vmem>> -> memref<120xf32, #tpu.memory_space<vmem>>
        %dma_wait3A_159 = tpu.memref_slice %arg2[%add3A_24] : memref<9600xf32, #tpu.memory_space<hbm>> -> memref<120xf32, #tpu.memory_space<hbm>>
        tpu.wait_dma2 semaphore(%run_scoped3A_145 : memref<!tpu.dma_semaphore, #tpu.memory_space<semaphore_mem>>) src(%dma_wait3A_159 : memref<120xf32, #tpu.memory_space<hbm>>) dst(%dma_wait3A_158 : memref<120xf32, #tpu.memory_space<vmem>>)
        tpu.yield
      }) : () -> ()
      %swap3A_26 = arith.constant 3 : i32
      %swap3A_27 = arith.index_cast %swap3A_26 : i32 to index
      %swap3A_28 = arith.constant 112 : index
      %swap3A_29 = tpu.vector_load %arg5[%swap3A_27, %swap3A_28] {strides = array<i32>} : memref<5x128xf32, #tpu.memory_space<vmem>>, vector<16xf32>,
      tpu.vector_store %arg5[%swap3A_27, %swap3A_28], %broadcast_in_dim3A_0 {strides = array<i32>} : memref<5x128xf32, #tpu.memory_space<vmem>>, vector<16xf32>,
      %mul3A_30 = arith.constant 120 : i32
      %mul3A_31 = arith.muli %arg1, %mul3A_30 : i32
      %add3A_32 = arith.constant 5760 : i32
      %add3A_33 = arith.addi %add3A_32, %mul3A_31 : i32
      %run_scoped3A_34 = arith.constant 3 : i32
      "tpu.region"() ({
        %run_scoped3A_145 = tpu.sem_alloc : memref<!tpu.dma_semaphore, #tpu.memory_space<semaphore_mem>>
        %dma_start3A = arith.constant 0 : i32
        %dma_start3A_146 = tpu.memref_slice %arg5[%run_scoped3A_34, %dma_start3A] : memref<5x128xf32, #tpu.memory_space<vmem>> -> memref<1x120xf32, #tpu.memory_space<vmem>>
        %dma_start3A_147 = tpu.memref_squeeze %dma_start3A_146 : memref<1x120xf32, #tpu.memory_space<vmem>> -> memref<120xf32, #tpu.memory_space<vmem>>
        %dma_start3A_148 = tpu.memref_slice %arg2[%add3A_33] : memref<9600xf32, #tpu.memory_space<hbm>> -> memref<120xf32, #tpu.memory_space<hbm>>
        %dma_start3A_149 = arith.constant 0 : i32
        %dma_start3A_150 = tpu.memref_slice %arg5[%run_scoped3A_34, %dma_start3A_149] : memref<5x128xf32, #tpu.memory_space<vmem>> -> memref<1x120xf32, #tpu.memory_space<vmem>>
        %dma_start3A_151 = tpu.memref_squeeze %dma_start3A_150 : memref<1x120xf32, #tpu.memory_space<vmem>> -> memref<120xf32, #tpu.memory_space<vmem>>
        %dma_start3A_152 = tpu.memref_slice %arg2[%add3A_33] : memref<9600xf32, #tpu.memory_space<hbm>> -> memref<120xf32, #tpu.memory_space<hbm>>
        tpu.enqueue_dma source(%dma_start3A_152 : memref<120xf32, #tpu.memory_space<hbm>>) target(%dma_start3A_151 : memref<120xf32, #tpu.memory_space<vmem>>) target_semaphore(%run_scoped3A_145 : memref<!tpu.dma_semaphore, #tpu.memory_space<semaphore_mem>>)
        %dma_wait3A = arith.constant 0 : i32
        %dma_wait3A_153 = tpu.memref_slice %arg5[%run_scoped3A_34, %dma_wait3A] : memref<5x128xf32, #tpu.memory_space<vmem>> -> memref<1x120xf32, #tpu.memory_space<vmem>>
        %dma_wait3A_154 = tpu.memref_squeeze %dma_wait3A_153 : memref<1x120xf32, #tpu.memory_space<vmem>> -> memref<120xf32, #tpu.memory_space<vmem>>
        %dma_wait3A_155 = tpu.memref_slice %arg2[%add3A_33] : memref<9600xf32, #tpu.memory_space<hbm>> -> memref<120xf32, #tpu.memory_space<hbm>>
        %dma_wait3A_156 = arith.constant 0 : i32
        %dma_wait3A_157 = tpu.memref_slice %arg5[%run_scoped3A_34, %dma_wait3A_156] : memref<5x128xf32, #tpu.memory_space<vmem>> -> memref<1x120xf32, #tpu.memory_space<vmem>>
        %dma_wait3A_158 = tpu.memref_squeeze %dma_wait3A_157 : memref<1x120xf32, #tpu.memory_space<vmem>> -> memref<120xf32, #tpu.memory_space<vmem>>
        %dma_wait3A_159 = tpu.memref_slice %arg2[%add3A_33] : memref<9600xf32, #tpu.memory_space<hbm>> -> memref<120xf32, #tpu.memory_space<hbm>>
        tpu.wait_dma2 semaphore(%run_scoped3A_145 : memref<!tpu.dma_semaphore, #tpu.memory_space<semaphore_mem>>) src(%dma_wait3A_159 : memref<120xf32, #tpu.memory_space<hbm>>) dst(%dma_wait3A_158 : memref<120xf32, #tpu.memory_space<vmem>>)
        tpu.yield
      }) : () -> ()
      %swap3A_35 = arith.constant 4 : i32
      %swap3A_36 = arith.index_cast %swap3A_35 : i32 to index
      %swap3A_37 = arith.constant 112 : index
      %swap3A_38 = tpu.vector_load %arg5[%swap3A_36, %swap3A_37] {strides = array<i32>} : memref<5x128xf32, #tpu.memory_space<vmem>>, vector<16xf32>,
      tpu.vector_store %arg5[%swap3A_36, %swap3A_37], %broadcast_in_dim3A_0 {strides = array<i32>} : memref<5x128xf32, #tpu.memory_space<vmem>>, vector<16xf32>,
      %mul3A_39 = arith.constant 120 : i32
      %mul3A_40 = arith.muli %arg1, %mul3A_39 : i32
      %add3A_41 = arith.constant 7680 : i32
      %add3A_42 = arith.addi %add3A_41, %mul3A_40 : i32
      %run_scoped3A_43 = arith.constant 4 : i32
      "tpu.region"() ({
        %run_scoped3A_145 = tpu.sem_alloc : memref<!tpu.dma_semaphore, #tpu.memory_space<semaphore_mem>>
        %dma_start3A = arith.constant 0 : i32
        %dma_start3A_146 = tpu.memref_slice %arg5[%run_scoped3A_43, %dma_start3A] : memref<5x128xf32, #tpu.memory_space<vmem>> -> memref<1x120xf32, #tpu.memory_space<vmem>>
        %dma_start3A_147 = tpu.memref_squeeze %dma_start3A_146 : memref<1x120xf32, #tpu.memory_space<vmem>> -> memref<120xf32, #tpu.memory_space<vmem>>
        %dma_start3A_148 = tpu.memref_slice %arg2[%add3A_42] : memref<9600xf32, #tpu.memory_space<hbm>> -> memref<120xf32, #tpu.memory_space<hbm>>
        %dma_start3A_149 = arith.constant 0 : i32
        %dma_start3A_150 = tpu.memref_slice %arg5[%run_scoped3A_43, %dma_start3A_149] : memref<5x128xf32, #tpu.memory_space<vmem>> -> memref<1x120xf32, #tpu.memory_space<vmem>>
        %dma_start3A_151 = tpu.memref_squeeze %dma_start3A_150 : memref<1x120xf32, #tpu.memory_space<vmem>> -> memref<120xf32, #tpu.memory_space<vmem>>
        %dma_start3A_152 = tpu.memref_slice %arg2[%add3A_42] : memref<9600xf32, #tpu.memory_space<hbm>> -> memref<120xf32, #tpu.memory_space<hbm>>
        tpu.enqueue_dma source(%dma_start3A_152 : memref<120xf32, #tpu.memory_space<hbm>>) target(%dma_start3A_151 : memref<120xf32, #tpu.memory_space<vmem>>) target_semaphore(%run_scoped3A_145 : memref<!tpu.dma_semaphore, #tpu.memory_space<semaphore_mem>>)
        %dma_wait3A = arith.constant 0 : i32
        %dma_wait3A_153 = tpu.memref_slice %arg5[%run_scoped3A_43, %dma_wait3A] : memref<5x128xf32, #tpu.memory_space<vmem>> -> memref<1x120xf32, #tpu.memory_space<vmem>>
        %dma_wait3A_154 = tpu.memref_squeeze %dma_wait3A_153 : memref<1x120xf32, #tpu.memory_space<vmem>> -> memref<120xf32, #tpu.memory_space<vmem>>
        %dma_wait3A_155 = tpu.memref_slice %arg2[%add3A_42] : memref<9600xf32, #tpu.memory_space<hbm>> -> memref<120xf32, #tpu.memory_space<hbm>>
        %dma_wait3A_156 = arith.constant 0 : i32
        %dma_wait3A_157 = tpu.memref_slice %arg5[%run_scoped3A_43, %dma_wait3A_156] : memref<5x128xf32, #tpu.memory_space<vmem>> -> memref<1x120xf32, #tpu.memory_space<vmem>>
        %dma_wait3A_158 = tpu.memref_squeeze %dma_wait3A_157 : memref<1x120xf32, #tpu.memory_space<vmem>> -> memref<120xf32, #tpu.memory_space<vmem>>
        %dma_wait3A_159 = tpu.memref_slice %arg2[%add3A_42] : memref<9600xf32, #tpu.memory_space<hbm>> -> memref<120xf32, #tpu.memory_space<hbm>>
        tpu.wait_dma2 semaphore(%run_scoped3A_145 : memref<!tpu.dma_semaphore, #tpu.memory_space<semaphore_mem>>) src(%dma_wait3A_159 : memref<120xf32, #tpu.memory_space<hbm>>) dst(%dma_wait3A_158 : memref<120xf32, #tpu.memory_space<vmem>>)
        tpu.yield
      }) : () -> ()
      %scan3A = arith.constant 0 : i32
      %scan3A_44 = arith.constant 8 : i32
      %scan3A_45 = arith.addi %scan3A, %scan3A_44 : i32
      %scan3A_46 = arith.constant 1 : i32
      %scan3A_47 = scf.for %scan3A_145 = %scan3A to %scan3A_45 step %scan3A_46 iter_args(%scan3A_146 = %broadcast_in_dim3A_0) -> (vector<16xf32>)  : i32 {
        %mul3A_147 = arith.constant 16 : i32
        %mul3A_148 = arith.muli %scan3A_145, %mul3A_147 : i32
        %get3A_149 = arith.constant 0 : i32
        %get3A_150 = arith.index_cast %get3A_149 : i32 to index
        %get3A_151 = arith.index_cast %mul3A_148 : i32 to index
        %get3A_152 = tpu.vector_load %arg5[%get3A_150, %get3A_151] {strides = array<i32>} : memref<5x128xf32, #tpu.memory_space<vmem>>, vector<16xf32>,
        %add3A_153 = arith.addf %broadcast_in_dim3A_0, %get3A_152 : vector<16xf32>
        %mul3A_154 = arith.constant 16 : i32
        %mul3A_155 = arith.muli %scan3A_145, %mul3A_154 : i32
        %get3A_156 = arith.constant 1 : i32
        %get3A_157 = arith.index_cast %get3A_156 : i32 to index
        %get3A_158 = arith.index_cast %mul3A_155 : i32 to index
        %get3A_159 = tpu.vector_load %arg5[%get3A_157, %get3A_158] {strides = array<i32>} : memref<5x128xf32, #tpu.memory_space<vmem>>, vector<16xf32>,
        %add3A_160 = arith.addf %add3A_153, %get3A_159 : vector<16xf32>
        %mul3A_161 = arith.constant 16 : i32
        %mul3A_162 = arith.muli %scan3A_145, %mul3A_161 : i32
        %get3A_163 = arith.constant 2 : i32
        %get3A_164 = arith.index_cast %get3A_163 : i32 to index
        %get3A_165 = arith.index_cast %mul3A_162 : i32 to index
        %get3A_166 = tpu.vector_load %arg5[%get3A_164, %get3A_165] {strides = array<i32>} : memref<5x128xf32, #tpu.memory_space<vmem>>, vector<16xf32>,
        %add3A_167 = arith.addf %add3A_160, %get3A_166 : vector<16xf32>
        %mul3A_168 = arith.constant 16 : i32
        %mul3A_169 = arith.muli %scan3A_145, %mul3A_168 : i32
        %get3A_170 = arith.constant 3 : i32
        %get3A_171 = arith.index_cast %get3A_170 : i32 to index
        %get3A_172 = arith.index_cast %mul3A_169 : i32 to index
        %get3A_173 = tpu.vector_load %arg5[%get3A_171, %get3A_172] {strides = array<i32>} : memref<5x128xf32, #tpu.memory_space<vmem>>, vector<16xf32>,
        %add3A_174 = arith.addf %add3A_167, %get3A_173 : vector<16xf32>
        %mul3A_175 = arith.constant 16 : i32
        %mul3A_176 = arith.muli %scan3A_145, %mul3A_175 : i32
        %get3A_177 = arith.constant 4 : i32
        %get3A_178 = arith.index_cast %get3A_177 : i32 to index
        %get3A_179 = arith.index_cast %mul3A_176 : i32 to index
        %get3A_180 = tpu.vector_load %arg5[%get3A_178, %get3A_179] {strides = array<i32>} : memref<5x128xf32, #tpu.memory_space<vmem>>, vector<16xf32>,
        %add3A_181 = arith.addf %add3A_174, %get3A_180 : vector<16xf32>
        %gt3A_182 = arith.constant 0.000000e+00 : f32
        %gt3A_183 = vector.broadcast %gt3A_182 : f32 to vector<16xf32>
        %gt3A_184 = arith.cmpf ogt, %add3A_181, %gt3A_183 : vector<16xf32>
        %jit3A = arith.constant 1.000000e+00 : f32
        %jit3A_185 = arith.constant 0.000000e+00 : f32
        %broadcast_in_dim3A_186 = vector.broadcast %jit3A : f32 to vector<16xf32>
        %broadcast_in_dim3A_187 = vector.broadcast %jit3A_185 : f32 to vector<16xf32>
        %select_n3A = arith.select %gt3A_184, %broadcast_in_dim3A_186, %broadcast_in_dim3A_187 : vector<16xi1>, vector<16xf32>
        %add3A_188 = arith.addf %scan3A_146, %select_n3A : vector<16xf32>
        scf.yield %add3A_188 : vector<16xf32>
      }
      %scan3A_48 = arith.constant 8 : i32
      %swap3A_49 = arith.constant 0 : index
      %swap3A_50 = tpu.vector_load %arg6[%swap3A_49] {strides = array<i32>} : memref<16xf32, #tpu.memory_space<vmem>>, vector<16xf32>,
      tpu.vector_store %arg6[%swap3A_49], %scan3A_47 {strides = array<i32>} : memref<16xf32, #tpu.memory_space<vmem>>, vector<16xf32>,
      "tpu.region"() ({
        %run_scoped3A_145 = tpu.sem_alloc : memref<!tpu.dma_semaphore, #tpu.memory_space<semaphore_mem>>
        %dma_start3A = arith.constant 0 : i32
        %dma_start3A_146 = tpu.memref_slice %arg11[%arg1, %dma_start3A] : memref<16x16xf32, #tpu.memory_space<vmem_shared>> -> memref<1x16xf32, #tpu.memory_space<vmem_shared>>
        %dma_start3A_147 = tpu.memref_squeeze %dma_start3A_146 : memref<1x16xf32, #tpu.memory_space<vmem_shared>> -> memref<16xf32, #tpu.memory_space<vmem_shared>>
        %dma_start3A_148 = arith.constant 0 : i32
        %dma_start3A_149 = tpu.memref_slice %arg11[%arg1, %dma_start3A_148] : memref<16x16xf32, #tpu.memory_space<vmem_shared>> -> memref<1x16xf32, #tpu.memory_space<vmem_shared>>
        %dma_start3A_150 = tpu.memref_squeeze %dma_start3A_149 : memref<1x16xf32, #tpu.memory_space<vmem_shared>> -> memref<16xf32, #tpu.memory_space<vmem_shared>>
        tpu.enqueue_dma source(%arg6 : memref<16xf32, #tpu.memory_space<vmem>>) target(%dma_start3A_150 : memref<16xf32, #tpu.memory_space<vmem_shared>>) target_semaphore(%run_scoped3A_145 : memref<!tpu.dma_semaphore, #tpu.memory_space<semaphore_mem>>)
        %dma_wait3A = arith.constant 0 : i32
        %dma_wait3A_151 = tpu.memref_slice %arg11[%arg1, %dma_wait3A] : memref<16x16xf32, #tpu.memory_space<vmem_shared>> -> memref<1x16xf32, #tpu.memory_space<vmem_shared>>
        %dma_wait3A_152 = tpu.memref_squeeze %dma_wait3A_151 : memref<1x16xf32, #tpu.memory_space<vmem_shared>> -> memref<16xf32, #tpu.memory_space<vmem_shared>>
        %dma_wait3A_153 = arith.constant 0 : i32
        %dma_wait3A_154 = tpu.memref_slice %arg11[%arg1, %dma_wait3A_153] : memref<16x16xf32, #tpu.memory_space<vmem_shared>> -> memref<1x16xf32, #tpu.memory_space<vmem_shared>>
        %dma_wait3A_155 = tpu.memref_squeeze %dma_wait3A_154 : memref<1x16xf32, #tpu.memory_space<vmem_shared>> -> memref<16xf32, #tpu.memory_space<vmem_shared>>
        tpu.wait_dma2 semaphore(%run_scoped3A_145 : memref<!tpu.dma_semaphore, #tpu.memory_space<semaphore_mem>>) src(%arg6 : memref<16xf32, #tpu.memory_space<vmem>>) dst(%dma_wait3A_155 : memref<16xf32, #tpu.memory_space<vmem_shared>>)
        tpu.yield
      }) : () -> ()
      %barrier3A = arith.constant 0 : index
      tpu.barrier barrier_id(%barrier3A)
      "tpu.region"() ({
        %run_scoped3A_145 = tpu.sem_alloc : memref<!tpu.dma_semaphore, #tpu.memory_space<semaphore_mem>>
        tpu.enqueue_dma source(%arg11 : memref<16x16xf32, #tpu.memory_space<vmem_shared>>) target(%arg7 : memref<16x16xf32, #tpu.memory_space<vmem>>) target_semaphore(%run_scoped3A_145 : memref<!tpu.dma_semaphore, #tpu.memory_space<semaphore_mem>>)
        tpu.wait_dma2 semaphore(%run_scoped3A_145 : memref<!tpu.dma_semaphore, #tpu.memory_space<semaphore_mem>>) src(%arg11 : memref<16x16xf32, #tpu.memory_space<vmem_shared>>) dst(%arg7 : memref<16x16xf32, #tpu.memory_space<vmem>>)
        tpu.yield
      }) : () -> ()
      %get3A = arith.constant 0 : i32
      %get3A_51 = arith.index_cast %get3A : i32 to index
      %get3A_52 = arith.constant 0 : index
      %get3A_53 = tpu.vector_load %arg7[%get3A_51, %get3A_52] {strides = array<i32>} : memref<16x16xf32, #tpu.memory_space<vmem>>, vector<16xf32>,
      %add3A_54 = arith.addf %broadcast_in_dim3A_0, %get3A_53 : vector<16xf32>
      %get3A_55 = arith.constant 1 : i32
      %get3A_56 = arith.index_cast %get3A_55 : i32 to index
      %get3A_57 = arith.constant 0 : index
      %get3A_58 = tpu.vector_load %arg7[%get3A_56, %get3A_57] {strides = array<i32>} : memref<16x16xf32, #tpu.memory_space<vmem>>, vector<16xf32>,
      %add3A_59 = arith.addf %add3A_54, %get3A_58 : vector<16xf32>
      %get3A_60 = arith.constant 2 : i32
      %get3A_61 = arith.index_cast %get3A_60 : i32 to index
      %get3A_62 = arith.constant 0 : index
      %get3A_63 = tpu.vector_load %arg7[%get3A_61, %get3A_62] {strides = array<i32>} : memref<16x16xf32, #tpu.memory_space<vmem>>, vector<16xf32>,
      %add3A_64 = arith.addf %add3A_59, %get3A_63 : vector<16xf32>
      %get3A_65 = arith.constant 3 : i32
      %get3A_66 = arith.index_cast %get3A_65 : i32 to index
      %get3A_67 = arith.constant 0 : index
      %get3A_68 = tpu.vector_load %arg7[%get3A_66, %get3A_67] {strides = array<i32>} : memref<16x16xf32, #tpu.memory_space<vmem>>, vector<16xf32>,
      %add3A_69 = arith.addf %add3A_64, %get3A_68 : vector<16xf32>
      %get3A_70 = arith.constant 4 : i32
      %get3A_71 = arith.index_cast %get3A_70 : i32 to index
      %get3A_72 = arith.constant 0 : index
      %get3A_73 = tpu.vector_load %arg7[%get3A_71, %get3A_72] {strides = array<i32>} : memref<16x16xf32, #tpu.memory_space<vmem>>, vector<16xf32>,
      %add3A_74 = arith.addf %add3A_69, %get3A_73 : vector<16xf32>
      %get3A_75 = arith.constant 5 : i32
      %get3A_76 = arith.index_cast %get3A_75 : i32 to index
      %get3A_77 = arith.constant 0 : index
      %get3A_78 = tpu.vector_load %arg7[%get3A_76, %get3A_77] {strides = array<i32>} : memref<16x16xf32, #tpu.memory_space<vmem>>, vector<16xf32>,
      %add3A_79 = arith.addf %add3A_74, %get3A_78 : vector<16xf32>
      %get3A_80 = arith.constant 6 : i32
      %get3A_81 = arith.index_cast %get3A_80 : i32 to index
      %get3A_82 = arith.constant 0 : index
      %get3A_83 = tpu.vector_load %arg7[%get3A_81, %get3A_82] {strides = array<i32>} : memref<16x16xf32, #tpu.memory_space<vmem>>, vector<16xf32>,
      %add3A_84 = arith.addf %add3A_79, %get3A_83 : vector<16xf32>
      %get3A_85 = arith.constant 7 : i32
      %get3A_86 = arith.index_cast %get3A_85 : i32 to index
      %get3A_87 = arith.constant 0 : index
      %get3A_88 = tpu.vector_load %arg7[%get3A_86, %get3A_87] {strides = array<i32>} : memref<16x16xf32, #tpu.memory_space<vmem>>, vector<16xf32>,
      %add3A_89 = arith.addf %add3A_84, %get3A_88 : vector<16xf32>
      %get3A_90 = arith.constant 8 : i32
      %get3A_91 = arith.index_cast %get3A_90 : i32 to index
      %get3A_92 = arith.constant 0 : index
      %get3A_93 = tpu.vector_load %arg7[%get3A_91, %get3A_92] {strides = array<i32>} : memref<16x16xf32, #tpu.memory_space<vmem>>, vector<16xf32>,
      %add3A_94 = arith.addf %add3A_89, %get3A_93 : vector<16xf32>
      %get3A_95 = arith.constant 9 : i32
      %get3A_96 = arith.index_cast %get3A_95 : i32 to index
      %get3A_97 = arith.constant 0 : index
      %get3A_98 = tpu.vector_load %arg7[%get3A_96, %get3A_97] {strides = array<i32>} : memref<16x16xf32, #tpu.memory_space<vmem>>, vector<16xf32>,
      %add3A_99 = arith.addf %add3A_94, %get3A_98 : vector<16xf32>
      %get3A_100 = arith.constant 10 : i32
      %get3A_101 = arith.index_cast %get3A_100 : i32 to index
      %get3A_102 = arith.constant 0 : index
      %get3A_103 = tpu.vector_load %arg7[%get3A_101, %get3A_102] {strides = array<i32>} : memref<16x16xf32, #tpu.memory_space<vmem>>, vector<16xf32>,
      %add3A_104 = arith.addf %add3A_99, %get3A_103 : vector<16xf32>
      %get3A_105 = arith.constant 11 : i32
      %get3A_106 = arith.index_cast %get3A_105 : i32 to index
      %get3A_107 = arith.constant 0 : index
      %get3A_108 = tpu.vector_load %arg7[%get3A_106, %get3A_107] {strides = array<i32>} : memref<16x16xf32, #tpu.memory_space<vmem>>, vector<16xf32>,
      %add3A_109 = arith.addf %add3A_104, %get3A_108 : vector<16xf32>
      %get3A_110 = arith.constant 12 : i32
      %get3A_111 = arith.index_cast %get3A_110 : i32 to index
      %get3A_112 = arith.constant 0 : index
      %get3A_113 = tpu.vector_load %arg7[%get3A_111, %get3A_112] {strides = array<i32>} : memref<16x16xf32, #tpu.memory_space<vmem>>, vector<16xf32>,
      %add3A_114 = arith.addf %add3A_109, %get3A_113 : vector<16xf32>
      %get3A_115 = arith.constant 13 : i32
      %get3A_116 = arith.index_cast %get3A_115 : i32 to index
      %get3A_117 = arith.constant 0 : index
      %get3A_118 = tpu.vector_load %arg7[%get3A_116, %get3A_117] {strides = array<i32>} : memref<16x16xf32, #tpu.memory_space<vmem>>, vector<16xf32>,
      %add3A_119 = arith.addf %add3A_114, %get3A_118 : vector<16xf32>
      %get3A_120 = arith.constant 14 : i32
      %get3A_121 = arith.index_cast %get3A_120 : i32 to index
      %get3A_122 = arith.constant 0 : index
      %get3A_123 = tpu.vector_load %arg7[%get3A_121, %get3A_122] {strides = array<i32>} : memref<16x16xf32, #tpu.memory_space<vmem>>, vector<16xf32>,
      %add3A_124 = arith.addf %add3A_119, %get3A_123 : vector<16xf32>
      %get3A_125 = arith.constant 15 : i32
      %get3A_126 = arith.index_cast %get3A_125 : i32 to index
      %get3A_127 = arith.constant 0 : index
      %get3A_128 = tpu.vector_load %arg7[%get3A_126, %get3A_127] {strides = array<i32>} : memref<16x16xf32, #tpu.memory_space<vmem>>, vector<16xf32>,
      %add3A_129 = arith.addf %add3A_124, %get3A_128 : vector<16xf32>
      %reduce_sum3A = arith.constant true
      %reduce_sum3A_130 = vector.broadcast %reduce_sum3A : i1 to vector<16xi1>
      %reduce_sum3A_131 = tpu.scan <sum>, %add3A_129 masked %reduce_sum3A_130 : vector<16xf32>, vector<16xi1> -> vector<16xf32>
      %reduce_sum3A_132 = vector.extract %reduce_sum3A_131[15] : f32 from vector<16xf32>
      %swap3A_133 = arith.constant 0 : index
      %swap3A_134 = tpu.vector_load %arg9[%swap3A_133] {strides = array<i32>} : memref<16xf32, #tpu.memory_space<vmem>>, vector<16xf32>,
      tpu.vector_store %arg9[%swap3A_133], %broadcast_in_dim3A_0 {strides = array<i32>} : memref<16xf32, #tpu.memory_space<vmem>>, vector<16xf32>,
      %gt3A = arith.constant 0.000000e+00 : f32
      %gt3A_135 = arith.cmpf ogt, %reduce_sum3A_132, %gt3A : f32
      %convert_element_type3A_136 = arith.extui %gt3A_135 : i1 to i32
      %cond3A_137 = arith.constant 0 : i32
      %cond3A_138 = arith.cmpi ne, %convert_element_type3A_136, %cond3A_137 : i32
      scf.if %cond3A_138 {
        %mul3A_145 = arith.constant 8400 : i32
        %mul3A_146 = arith.muli %arg1, %mul3A_145 : i32
        "tpu.region"() ({
          %run_scoped3A_155 = tpu.sem_alloc : memref<!tpu.dma_semaphore, #tpu.memory_space<semaphore_mem>>
          %dma_start3A = tpu.memref_slice %arg3[%mul3A_146] : memref<134400xf32, #tpu.memory_space<hbm>> -> memref<8400xf32, #tpu.memory_space<hbm>>
          %dma_start3A_156 = tpu.memref_slice %arg3[%mul3A_146] : memref<134400xf32, #tpu.memory_space<hbm>> -> memref<8400xf32, #tpu.memory_space<hbm>>
          tpu.enqueue_dma source(%dma_start3A_156 : memref<8400xf32, #tpu.memory_space<hbm>>) target(%arg8 : memref<8400xf32, #tpu.memory_space<vmem>>) target_semaphore(%run_scoped3A_155 : memref<!tpu.dma_semaphore, #tpu.memory_space<semaphore_mem>>)
          %dma_wait3A = tpu.memref_slice %arg3[%mul3A_146] : memref<134400xf32, #tpu.memory_space<hbm>> -> memref<8400xf32, #tpu.memory_space<hbm>>
          %dma_wait3A_157 = tpu.memref_slice %arg3[%mul3A_146] : memref<134400xf32, #tpu.memory_space<hbm>> -> memref<8400xf32, #tpu.memory_space<hbm>>
          tpu.wait_dma2 semaphore(%run_scoped3A_155 : memref<!tpu.dma_semaphore, #tpu.memory_space<semaphore_mem>>) src(%dma_wait3A_157 : memref<8400xf32, #tpu.memory_space<hbm>>) dst(%arg8 : memref<8400xf32, #tpu.memory_space<vmem>>)
          tpu.yield
        }) : () -> ()
        %scan3A_147 = arith.constant 0 : i32
        %scan3A_148 = arith.constant 525 : i32
        %scan3A_149 = arith.addi %scan3A_147, %scan3A_148 : i32
        %scan3A_150 = arith.constant 1 : i32
        %scan3A_151 = scf.for %scan3A_155 = %scan3A_147 to %scan3A_149 step %scan3A_150 iter_args(%scan3A_156 = %broadcast_in_dim3A_0) -> (vector<16xf32>)  : i32 {
          %mul3A_157 = arith.constant 16 : i32
          %mul3A_158 = arith.muli %scan3A_155, %mul3A_157 : i32
          %get3A_159 = arith.index_cast %mul3A_158 : i32 to index
          %get3A_160 = tpu.vector_load %arg8[%get3A_159] {strides = array<i32>} : memref<8400xf32, #tpu.memory_space<vmem>>, vector<16xf32>,
          %abs3A = math.absf %get3A_160 : vector<16xf32>
          %neg3A = arith.constant 0.000000e+00 : f32
          %neg3A_161 = vector.broadcast %neg3A : f32 to vector<16xf32>
          %neg3A_162 = arith.subf %neg3A_161, %abs3A : vector<16xf32>
          %exp3A = math.exp %neg3A_162 : vector<16xf32>
          %mul3A_163 = arith.constant 2.000000e-01 : f32
          %mul3A_164 = vector.broadcast %mul3A_163 : f32 to vector<16xf32>
          %mul3A_165 = arith.mulf %exp3A, %mul3A_164 : vector<16xf32>
          %add3A_166 = arith.constant -2.500000e-01 : f32
          %add3A_167 = vector.broadcast %add3A_166 : f32 to vector<16xf32>
          %add3A_168 = arith.addf %add3A_167, %mul3A_165 : vector<16xf32>
          %mul3A_169 = arith.mulf %exp3A, %add3A_168 : vector<16xf32>
          %add3A_170 = arith.constant 0.333333343 : f32
          %add3A_171 = vector.broadcast %add3A_170 : f32 to vector<16xf32>
          %add3A_172 = arith.addf %add3A_171, %mul3A_169 : vector<16xf32>
          %mul3A_173 = arith.mulf %exp3A, %add3A_172 : vector<16xf32>
          %add3A_174 = arith.constant -5.000000e-01 : f32
          %add3A_175 = vector.broadcast %add3A_174 : f32 to vector<16xf32>
          %add3A_176 = arith.addf %add3A_175, %mul3A_173 : vector<16xf32>
          %mul3A_177 = arith.mulf %exp3A, %add3A_176 : vector<16xf32>
          %add3A_178 = arith.constant 1.000000e+00 : f32
          %add3A_179 = vector.broadcast %add3A_178 : f32 to vector<16xf32>
          %add3A_180 = arith.addf %add3A_179, %mul3A_177 : vector<16xf32>
          %mul3A_181 = arith.mulf %exp3A, %add3A_180 : vector<16xf32>
          %max3A = arith.constant 0.000000e+00 : f32
          %max3A_182 = vector.broadcast %max3A : f32 to vector<16xf32>
          %max3A_183 = arith.maximumf %get3A_160, %max3A_182 : vector<16xf32>
          %add3A_184 = arith.addf %max3A_183, %mul3A_181 : vector<16xf32>
          %mul3A_185 = arith.mulf %add3A_184, %broadcast_in_dim3A_0 : vector<16xf32>
          %add3A_186 = arith.addf %scan3A_156, %mul3A_185 : vector<16xf32>
          scf.yield %add3A_186 : vector<16xf32>
        }
        %scan3A_152 = arith.constant 525 : i32
        %swap3A_153 = arith.constant 0 : index
        %swap3A_154 = tpu.vector_load %arg9[%swap3A_153] {strides = array<i32>} : memref<16xf32, #tpu.memory_space<vmem>>, vector<16xf32>,
        tpu.vector_store %arg9[%swap3A_153], %scan3A_151 {strides = array<i32>} : memref<16xf32, #tpu.memory_space<vmem>>, vector<16xf32>,
      } else {
      }
      "tpu.region"() ({
        %run_scoped3A_145 = tpu.sem_alloc : memref<!tpu.dma_semaphore, #tpu.memory_space<semaphore_mem>>
        %dma_start3A = arith.constant 0 : i32
        %dma_start3A_146 = tpu.memref_slice %arg12[%arg1, %dma_start3A] : memref<16x16xf32, #tpu.memory_space<vmem_shared>> -> memref<1x16xf32, #tpu.memory_space<vmem_shared>>
        %dma_start3A_147 = tpu.memref_squeeze %dma_start3A_146 : memref<1x16xf32, #tpu.memory_space<vmem_shared>> -> memref<16xf32, #tpu.memory_space<vmem_shared>>
        %dma_start3A_148 = arith.constant 0 : i32
        %dma_start3A_149 = tpu.memref_slice %arg12[%arg1, %dma_start3A_148] : memref<16x16xf32, #tpu.memory_space<vmem_shared>> -> memref<1x16xf32, #tpu.memory_space<vmem_shared>>
        %dma_start3A_150 = tpu.memref_squeeze %dma_start3A_149 : memref<1x16xf32, #tpu.memory_space<vmem_shared>> -> memref<16xf32, #tpu.memory_space<vmem_shared>>
        tpu.enqueue_dma source(%arg9 : memref<16xf32, #tpu.memory_space<vmem>>) target(%dma_start3A_150 : memref<16xf32, #tpu.memory_space<vmem_shared>>) target_semaphore(%run_scoped3A_145 : memref<!tpu.dma_semaphore, #tpu.memory_space<semaphore_mem>>)
        %dma_wait3A = arith.constant 0 : i32
        %dma_wait3A_151 = tpu.memref_slice %arg12[%arg1, %dma_wait3A] : memref<16x16xf32, #tpu.memory_space<vmem_shared>> -> memref<1x16xf32, #tpu.memory_space<vmem_shared>>
        %dma_wait3A_152 = tpu.memref_squeeze %dma_wait3A_151 : memref<1x16xf32, #tpu.memory_space<vmem_shared>> -> memref<16xf32, #tpu.memory_space<vmem_shared>>
        %dma_wait3A_153 = arith.constant 0 : i32
        %dma_wait3A_154 = tpu.memref_slice %arg12[%arg1, %dma_wait3A_153] : memref<16x16xf32, #tpu.memory_space<vmem_shared>> -> memref<1x16xf32, #tpu.memory_space<vmem_shared>>
        %dma_wait3A_155 = tpu.memref_squeeze %dma_wait3A_154 : memref<1x16xf32, #tpu.memory_space<vmem_shared>> -> memref<16xf32, #tpu.memory_space<vmem_shared>>
        tpu.wait_dma2 semaphore(%run_scoped3A_145 : memref<!tpu.dma_semaphore, #tpu.memory_space<semaphore_mem>>) src(%arg9 : memref<16xf32, #tpu.memory_space<vmem>>) dst(%dma_wait3A_155 : memref<16xf32, #tpu.memory_space<vmem_shared>>)
        tpu.yield
      }) : () -> ()
      %barrier3A_139 = arith.constant 0 : index
      tpu.barrier barrier_id(%barrier3A_139)
      %eq3A_140 = arith.constant 0 : i32
      %eq3A_141 = arith.cmpi eq, %arg1, %eq3A_140 : i32
      %convert_element_type3A_142 = arith.extui %eq3A_141 : i1 to i32
      %cond3A_143 = arith.constant 0 : i32
      %cond3A_144 = arith.cmpi ne, %convert_element_type3A_142, %cond3A_143 : i32
      scf.if %cond3A_144 {
        "tpu.region"() ({
          %run_scoped3A_236 = tpu.sem_alloc : memref<!tpu.dma_semaphore, #tpu.memory_space<semaphore_mem>>
          tpu.enqueue_dma source(%arg12 : memref<16x16xf32, #tpu.memory_space<vmem_shared>>) target(%arg7 : memref<16x16xf32, #tpu.memory_space<vmem>>) target_semaphore(%run_scoped3A_236 : memref<!tpu.dma_semaphore, #tpu.memory_space<semaphore_mem>>)
          tpu.wait_dma2 semaphore(%run_scoped3A_236 : memref<!tpu.dma_semaphore, #tpu.memory_space<semaphore_mem>>) src(%arg12 : memref<16x16xf32, #tpu.memory_space<vmem_shared>>) dst(%arg7 : memref<16x16xf32, #tpu.memory_space<vmem>>)
          tpu.yield
        }) : () -> ()
        %get3A_145 = arith.constant 0 : i32
        %get3A_146 = arith.index_cast %get3A_145 : i32 to index
        %get3A_147 = arith.constant 0 : index
        %get3A_148 = tpu.vector_load %arg7[%get3A_146, %get3A_147] {strides = array<i32>} : memref<16x16xf32, #tpu.memory_space<vmem>>, vector<16xf32>,
        %add3A_149 = arith.addf %broadcast_in_dim3A_0, %get3A_148 : vector<16xf32>
        %get3A_150 = arith.constant 1 : i32
        %get3A_151 = arith.index_cast %get3A_150 : i32 to index
        %get3A_152 = arith.constant 0 : index
        %get3A_153 = tpu.vector_load %arg7[%get3A_151, %get3A_152] {strides = array<i32>} : memref<16x16xf32, #tpu.memory_space<vmem>>, vector<16xf32>,
        %add3A_154 = arith.addf %add3A_149, %get3A_153 : vector<16xf32>
        %get3A_155 = arith.constant 2 : i32
        %get3A_156 = arith.index_cast %get3A_155 : i32 to index
        %get3A_157 = arith.constant 0 : index
        %get3A_158 = tpu.vector_load %arg7[%get3A_156, %get3A_157] {strides = array<i32>} : memref<16x16xf32, #tpu.memory_space<vmem>>, vector<16xf32>,
        %add3A_159 = arith.addf %add3A_154, %get3A_158 : vector<16xf32>
        %get3A_160 = arith.constant 3 : i32
        %get3A_161 = arith.index_cast %get3A_160 : i32 to index
        %get3A_162 = arith.constant 0 : index
        %get3A_163 = tpu.vector_load %arg7[%get3A_161, %get3A_162] {strides = array<i32>} : memref<16x16xf32, #tpu.memory_space<vmem>>, vector<16xf32>,
        %add3A_164 = arith.addf %add3A_159, %get3A_163 : vector<16xf32>
        %get3A_165 = arith.constant 4 : i32
        %get3A_166 = arith.index_cast %get3A_165 : i32 to index
        %get3A_167 = arith.constant 0 : index
        %get3A_168 = tpu.vector_load %arg7[%get3A_166, %get3A_167] {strides = array<i32>} : memref<16x16xf32, #tpu.memory_space<vmem>>, vector<16xf32>,
        %add3A_169 = arith.addf %add3A_164, %get3A_168 : vector<16xf32>
        %get3A_170 = arith.constant 5 : i32
        %get3A_171 = arith.index_cast %get3A_170 : i32 to index
        %get3A_172 = arith.constant 0 : index
        %get3A_173 = tpu.vector_load %arg7[%get3A_171, %get3A_172] {strides = array<i32>} : memref<16x16xf32, #tpu.memory_space<vmem>>, vector<16xf32>,
        %add3A_174 = arith.addf %add3A_169, %get3A_173 : vector<16xf32>
        %get3A_175 = arith.constant 6 : i32
        %get3A_176 = arith.index_cast %get3A_175 : i32 to index
        %get3A_177 = arith.constant 0 : index
        %get3A_178 = tpu.vector_load %arg7[%get3A_176, %get3A_177] {strides = array<i32>} : memref<16x16xf32, #tpu.memory_space<vmem>>, vector<16xf32>,
        %add3A_179 = arith.addf %add3A_174, %get3A_178 : vector<16xf32>
        %get3A_180 = arith.constant 7 : i32
        %get3A_181 = arith.index_cast %get3A_180 : i32 to index
        %get3A_182 = arith.constant 0 : index
        %get3A_183 = tpu.vector_load %arg7[%get3A_181, %get3A_182] {strides = array<i32>} : memref<16x16xf32, #tpu.memory_space<vmem>>, vector<16xf32>,
        %add3A_184 = arith.addf %add3A_179, %get3A_183 : vector<16xf32>
        %get3A_185 = arith.constant 8 : i32
        %get3A_186 = arith.index_cast %get3A_185 : i32 to index
        %get3A_187 = arith.constant 0 : index
        %get3A_188 = tpu.vector_load %arg7[%get3A_186, %get3A_187] {strides = array<i32>} : memref<16x16xf32, #tpu.memory_space<vmem>>, vector<16xf32>,
        %add3A_189 = arith.addf %add3A_184, %get3A_188 : vector<16xf32>
        %get3A_190 = arith.constant 9 : i32
        %get3A_191 = arith.index_cast %get3A_190 : i32 to index
        %get3A_192 = arith.constant 0 : index
        %get3A_193 = tpu.vector_load %arg7[%get3A_191, %get3A_192] {strides = array<i32>} : memref<16x16xf32, #tpu.memory_space<vmem>>, vector<16xf32>,
        %add3A_194 = arith.addf %add3A_189, %get3A_193 : vector<16xf32>
        %get3A_195 = arith.constant 10 : i32
        %get3A_196 = arith.index_cast %get3A_195 : i32 to index
        %get3A_197 = arith.constant 0 : index
        %get3A_198 = tpu.vector_load %arg7[%get3A_196, %get3A_197] {strides = array<i32>} : memref<16x16xf32, #tpu.memory_space<vmem>>, vector<16xf32>,
        %add3A_199 = arith.addf %add3A_194, %get3A_198 : vector<16xf32>
        %get3A_200 = arith.constant 11 : i32
        %get3A_201 = arith.index_cast %get3A_200 : i32 to index
        %get3A_202 = arith.constant 0 : index
        %get3A_203 = tpu.vector_load %arg7[%get3A_201, %get3A_202] {strides = array<i32>} : memref<16x16xf32, #tpu.memory_space<vmem>>, vector<16xf32>,
        %add3A_204 = arith.addf %add3A_199, %get3A_203 : vector<16xf32>
        %get3A_205 = arith.constant 12 : i32
        %get3A_206 = arith.index_cast %get3A_205 : i32 to index
        %get3A_207 = arith.constant 0 : index
        %get3A_208 = tpu.vector_load %arg7[%get3A_206, %get3A_207] {strides = array<i32>} : memref<16x16xf32, #tpu.memory_space<vmem>>, vector<16xf32>,
        %add3A_209 = arith.addf %add3A_204, %get3A_208 : vector<16xf32>
        %get3A_210 = arith.constant 13 : i32
        %get3A_211 = arith.index_cast %get3A_210 : i32 to index
        %get3A_212 = arith.constant 0 : index
        %get3A_213 = tpu.vector_load %arg7[%get3A_211, %get3A_212] {strides = array<i32>} : memref<16x16xf32, #tpu.memory_space<vmem>>, vector<16xf32>,
        %add3A_214 = arith.addf %add3A_209, %get3A_213 : vector<16xf32>
        %get3A_215 = arith.constant 14 : i32
        %get3A_216 = arith.index_cast %get3A_215 : i32 to index
        %get3A_217 = arith.constant 0 : index
        %get3A_218 = tpu.vector_load %arg7[%get3A_216, %get3A_217] {strides = array<i32>} : memref<16x16xf32, #tpu.memory_space<vmem>>, vector<16xf32>,
        %add3A_219 = arith.addf %add3A_214, %get3A_218 : vector<16xf32>
        %get3A_220 = arith.constant 15 : i32
        %get3A_221 = arith.index_cast %get3A_220 : i32 to index
        %get3A_222 = arith.constant 0 : index
        %get3A_223 = tpu.vector_load %arg7[%get3A_221, %get3A_222] {strides = array<i32>} : memref<16x16xf32, #tpu.memory_space<vmem>>, vector<16xf32>,
        %add3A_224 = arith.addf %add3A_219, %get3A_223 : vector<16xf32>
        %reduce_sum3A_225 = arith.constant true
        %reduce_sum3A_226 = vector.broadcast %reduce_sum3A_225 : i1 to vector<16xi1>
        %reduce_sum3A_227 = tpu.scan <sum>, %add3A_224 masked %reduce_sum3A_226 : vector<16xf32>, vector<16xi1> -> vector<16xf32>
        %reduce_sum3A_228 = vector.extract %reduce_sum3A_227[15] : f32 from vector<16xf32>
        %eq3A_229 = arith.constant 0 : i32
        %eq3A_230 = vector.broadcast %eq3A_229 : i32 to vector<16xi32>
        %eq3A_231 = arith.cmpi eq, %iota3A, %eq3A_230 : vector<16xi32>
        %jit3A = arith.constant 0.000000e+00 : f32
        %broadcast_in_dim3A_232 = vector.broadcast %reduce_sum3A_228 : f32 to vector<16xf32>
        %broadcast_in_dim3A_233 = vector.broadcast %jit3A : f32 to vector<16xf32>
        %select_n3A = arith.select %eq3A_231, %broadcast_in_dim3A_232, %broadcast_in_dim3A_233 : vector<16xi1>, vector<16xf32>
        %swap3A_234 = arith.constant 0 : index
        %swap3A_235 = tpu.vector_load %arg10[%swap3A_234] {strides = array<i32>} : memref<16xf32, #tpu.memory_space<vmem>>, vector<16xf32>,
        tpu.vector_store %arg10[%swap3A_234], %select_n3A {strides = array<i32>} : memref<16xf32, #tpu.memory_space<vmem>>, vector<16xf32>,
        "tpu.region"() ({
          %run_scoped3A_236 = tpu.sem_alloc : memref<!tpu.dma_semaphore, #tpu.memory_space<semaphore_mem>>
          tpu.enqueue_dma source(%arg10 : memref<16xf32, #tpu.memory_space<vmem>>) target(%arg4 : memref<16xf32, #tpu.memory_space<hbm>>) target_semaphore(%run_scoped3A_236 : memref<!tpu.dma_semaphore, #tpu.memory_space<semaphore_mem>>)
          tpu.wait_dma2 semaphore(%run_scoped3A_236 : memref<!tpu.dma_semaphore, #tpu.memory_space<semaphore_mem>>) src(%arg10 : memref<16xf32, #tpu.memory_space<vmem>>) dst(%arg4 : memref<16xf32, #tpu.memory_space<hbm>>)
          tpu.yield
        }) : () -> ()
      } else {
      }
    } else {
    }
    return
  }
}

</mosaic_0001>

<sc_bundles>
// kernel: kernel.3.cloned.1.call-start
scs
__scs_entry_jumppad:
0x0: {  	(pc) =	sbr.rel $0x88, $3  }
0x1: {  	(tag) =	ssettag $0x0;
	lr =	simm.s32 $0x1  }
0x2: {  	[smem:$0x3F9F] =	sst lr;
	_ =	strace $0xD0000000  }
0x3: {  	_ = 	snop  }
0x4: {  	_ = 	snop  }
0x5: {  	_ = 	snop  }
0x6: {  	_ = 	snop  }
0x7: {  	_ = 	snop  }
__scs_overlays_trampoline_lowered:
0x8: {  	[smem:$0x3FAE] =	sst s0  }
0x9: {  	[smem:$0x3FAF] =	sst s1  }
0xa: {  	[smem:$0x3FB0] =	sst s2  }
0xb: {  	[smem:$0x3FB1] =	sst s3  }
0xc: {  	[smem:$0x3FB2] =	sst s4  }
0xd: {  	[smem:$0x3FB3] =	sst s5  }
0xe: {  	[smem:$0x3FB4] =	sst s6  }
0xf: {  	[smem:$0x3FB5] =	sst s7  }
0x10: {  	[smem:$0x3FB6] =	sst s8  }
0x11: {  	[smem:$0x3FB7] =	sst s9;
	s0 =	simm.s32 @!p0 $0x0  }
0x12: {  	s1 =	sld [smem:$0x3F9D];
	s0 =	simm.s32 @p0 $0x1  }
0x13: {  	[smem:$0x3FB8] =	sst s0;
	s0 =	simm.s32 @!p1 $0x0  }
0x14: {  	s2 =	sld [smem:$0x3F9C];
	s0 =	simm.s32 @p1 $0x1  }
0x15: {  	[smem:$0x3FB9] =	sst s0;
	s0 =	simm.s32 @!p2 $0x0  }
0x16: {  	s3 =	sld [smem:$0x3FDB];
	s0 =	simm.s32 @p2 $0x1  }
0x17: {  	s4 =	simm.s32 $0x1BF5;
	[smem:$0x3FBB] =	sst s0  }
0x18: {  	s0 =	sld [smem:$0x3F9E];
	_ =	swait.ge [sflag:s4], $0x0  }
0x19: {  	s7 =	sld [smem:$0x3F9F]  }
0x1a: {  	s8 =	sadd.s32 $0xFFFFE003, lr  }
0x1b: {  	s9 =	sadd.s32 $0xFFFFFEF7, lr;
	s5 =	simm.s32 $0xFFFFFFFF;
	p2 =	slt.u32 s8, $0xFFFFF086  }
0x1c: {  	p1 =	slt.u32 s9, $0xF7A;
	s5 =	simm.s32 @!p2 $0x0  }
0x1d: {  	s5 =	simm.s32 @p1 $0x1;
	p0 =	seq.s32 s7, s2  }
0x1e: {  	s7 =	smul.u32 @!p0 $0xF7A, s2;
	p2 =	seq.s32 @!p0 s5, $0x0  }
0x1f: {  	s9 =	smul.u32 $0xF7A, s1;
	s8 =	simm.s32 @!p0 $0x1BF5;
	p2 =	por !p2, p0  }
0x20: {  	[sflag:s8] =	ssyncset.s32 @!p0 $0xFFFFF086;
	s6 =	sadd.s32 @!p0 s3, s7;
	s7 =	simm.s32 @!p0 $0x108  }
0x21: {  	s3 =	sadd.s32 s3, s9;
	s6 =	sadd.s32 @!p0 $0x88, s6;
	s7 =	simm.s32 @p2 $0x1082  }
0x22: {  	[simem:s7], [sflag:s8] =	dma.local @!p0 [hbm:s6], $0xF7A  }
0x23: {  	s9 =	sor.u32 $0xD0000000, s2;
	s6 =	simm.s32 $0x108;
	_ =	swait.ge @!p0 [sflag:s8], $0x0  }
0x24: {  	s3 =	sadd.s32 $0x88, s3;
	s6 =	simm.s32 @!p1 $0x1082;
	[sflag:s4] =	ssyncset.s32 $0xFFFFF086  }
0x25: {  	[simem:s6], [sflag:s4] =	dma.local [hbm:s3], $0xF7A  }
0x26: {  	[smem:$0x3F9F] =	sst s1;
	(tag) =	ssettag s2;
	_ =	strace s9  }
0x27: {  	s1 =	sld [smem:$0x3FAF]  }
0x28: {  	s2 =	sld [smem:$0x3FB0]  }
0x29: {  	s4 =	sld [smem:$0x3FB2]  }
0x2a: {  	p0 =	seq.s32 s5, $0x0;
	s5 =	sld [smem:$0x3FB3]  }
0x2b: {  	s6 =	sld [smem:$0x3FB4]  }
0x2c: {  	s7 =	sld [smem:$0x3FB5]  }
0x2d: {  	s3 =	simm.s32 $0x108;
	s8 =	sld [smem:$0x3FB6]  }
0x2e: {  	s3 =	simm.s32 @!p0 $0x1082;
	s9 =	sld [smem:$0x3FB7]  }
0x2f: {  	lr =	sadd.s32 s0, s3;
	s0 =	sld [smem:$0x3FAE]  }
0x30: {  	s3 =	sld [smem:$0x3FB1]  }
0x31: {  	[smem:$0x3FBA] =	sst s10  }
0x32: {  	s10 =	sld [smem:$0x3FB8];
	_ =	sdelay $0x3  }
0x33: {  	p0 =	seq.s32 s10, $0x1;
	s10 =	sld [smem:$0x3FBA];
	_ =	sdelay $0x3  }
0x34: {  	[smem:$0x3FBA] =	sst s10  }
0x35: {  	s10 =	sld [smem:$0x3FB9];
	_ =	sdelay $0x3  }
0x36: {  	p1 =	seq.s32 s10, $0x1;
	s10 =	sld [smem:$0x3FBA];
	_ =	sdelay $0x3  }
0x37: {  	[smem:$0x3FBA] =	sst s10  }
0x38: {  	s10 =	sld [smem:$0x3FBB]  }
0x39: {  	_ = 	snop;
	(pc) =	sbr.ind lr, $3  }
0x3a: {  	_ = 	snop  }
0x3b: {  	_ = 	snop  }
0x3c: {  	p2 =	seq.s32 s10, $0x1;
	s10 =	sld [smem:$0x3FBA]  }
0x3d: {  	_ =	shalt  }
0x3e: {  	_ =	shalt  }
0x3f: {  	_ =	shalt  }
0x40: {  	_ =	shalt  }
0x41: {  	_ =	shalt  }
0x42: {  	_ =	shalt  }
0x43: {  	_ =	shalt  }
0x44: {  	_ =	shalt  }
0x45: {  	_ =	shalt  }
0x46: {  	_ =	shalt  }
0x47: {  	_ =	shalt  }
0x48: {  	_ =	shalt  }
0x49: {  	_ =	shalt  }
0x4a: {  	_ =	shalt  }
0x4b: {  	_ =	shalt  }
0x4c: {  	_ =	shalt  }
0x4d: {  	_ =	shalt  }
0x4e: {  	_ =	shalt  }
0x4f: {  	_ =	shalt  }
0x50: {  	_ =	shalt  }
0x51: {  	_ =	shalt  }
0x52: {  	_ =	shalt  }
0x53: {  	_ =	shalt  }
0x54: {  	_ =	shalt  }
0x55: {  	_ =	shalt  }
0x56: {  	_ =	shalt  }
0x57: {  	_ =	shalt  }
0x58: {  	_ =	shalt  }
0x59: {  	_ =	shalt  }
0x5a: {  	_ =	shalt  }
0x5b: {  	_ =	shalt  }
0x5c: {  	_ =	shalt  }
0x5d: {  	_ =	shalt  }
0x5e: {  	_ =	shalt  }
0x5f: {  	_ =	shalt  }
0x60: {  	_ =	shalt  }
0x61: {  	_ =	shalt  }
0x62: {  	_ =	shalt  }
0x63: {  	_ =	shalt  }
0x64: {  	_ =	shalt  }
0x65: {  	_ =	shalt  }
0x66: {  	_ =	shalt  }
0x67: {  	_ =	shalt  }
0x68: {  	_ =	shalt  }
0x69: {  	_ =	shalt  }
0x6a: {  	_ =	shalt  }
0x6b: {  	_ =	shalt  }
0x6c: {  	_ =	shalt  }
0x6d: {  	_ =	shalt  }
0x6e: {  	_ =	shalt  }
0x6f: {  	_ =	shalt  }
0x70: {  	_ =	shalt  }
0x71: {  	_ =	shalt  }
0x72: {  	_ =	shalt  }
0x73: {  	_ =	shalt  }
0x74: {  	_ =	shalt  }
0x75: {  	_ =	shalt  }
0x76: {  	_ =	shalt  }
0x77: {  	_ =	shalt  }
0x78: {  	_ =	shalt  }
0x79: {  	_ =	shalt  }
0x7a: {  	_ =	shalt  }
0x7b: {  	_ =	shalt  }
0x7c: {  	_ =	shalt  }
0x7d: {  	_ =	shalt  }
0x7e: {  	_ =	shalt  }
0x7f: {  	_ =	shalt  }
0x80: {  	_ =	shalt  }
0x81: {  	_ =	shalt  }
0x82: {  	_ =	shalt  }
0x83: {  	_ =	shalt  }
0x84: {  	_ =	shalt  }
0x85: {  	_ =	shalt  }
0x86: {  	_ =	shalt  }
0x87: {  	_ =	shalt  }
.Lfunc_end0:
.L_simem_size_0:
called_computation_lowered:
.L_overlay_start_0:
0x88: {  	s2 =	sld [smem:$0x3FD9]  }
0x89: {  	s3 =	sld [smem:$0x3FFE];
	_ =	sdelay $0x1  }
0x8a: {  	s1 =	srdreg.scid  }
0x8b: {  	s0 =	sand.u32 $0x1, s1  }
0x8c: {  	s17 =	sshll.u32 s0, $0xA;
	s2 =	sadd.s32 s3, s2  }
0x8d: {  	s2 =	sadd.s32 s2, s17  }
0x8e: {  	[smem:$0x3FC6] =	sst s2  }
0x8f: {  	_ = 	snop  }
0x90: {  	s2 =	sld [smem:$0x3FD0];
	(tm) =	ssettm $0x1  }
0x91: {  	s18 =	sld [smem:$0x3FFB];
	_ =	sdelay $0x3  }
0x92: {  	_ =	strace s18  }
0x93: {  	s3 =	sld [smem:$0x3FFC];
	_ =	sdelay $0x3  }
0x94: {  	_ =	strace s3  }
0x95: {  	s3 =	sld [smem:$0x3FFD];
	_ =	sdelay $0x3  }
0x96: {  	_ =	strace s3  }
0x97: {  	_ =	strace $0x8FFFFFFF  }
0x98: {  	s19 =	sld [smem:$0x3FDB];
	_ =	sdelay $0x1  }
0x99: {  	s4 =	simm.s32 $_scs_section_size  }
0x9a: {  	s5 =	simm.s32 $_size__tile_overlayer_lowered;
	s6 =	simm.s32 $_tile_overlayer_lowered  }
0x9b: {  	s22 =	simm.s32 $0x1BFF;
	s21 =	sshll.u32 s6, $0x1;
	s3 =	sadd.s32 s4, s19  }
0x9c: {  	s7 =	simm.s32 $0x0;
	s20 =	sshll.u32 s5, $0x1;
	s5 =	sadd.s32 s21, s3  }
0x9d: {  	[timem:s7], [sflag:s22] =	dma.local [hbm:s5], s20  }
0x9e: {  	_ =	swait.ge [sflag:s22], s20  }
0x9f: {  	s4 =	ssub.s32 $0x0, s20;
	[sflag:s22] =	ssyncset.done $0x0  }
0xa0: {  	[sflag:s22] =	ssyncadd.s32 s4;
	_ =	sdelay $0x1  }
0xa1: {  	s23 =	simm.s32 $0x1B8B  }
0xa2: {  	_ =	swait.ge [sflag:s23], $0x1  }
0xa3: {  	[sflag:s23] =	ssyncset.done $0x0  }
0xa4: {  	s25 =	simm.s32 $0x1B8E;
	s24 =	sld [smem:$0x3FFE];
	[sflag:s23] =	ssyncadd.s32 $0xFFFFFFFF  }
0xa5: {  	s26 =	simm.s32 $execute0_lowered;
	[smem:$0x3FD2] =	sst s25  }
0xa6: {  	s5 =	sshll.u32 s26, $0x1;
	_ =	strace $0x80000046;
	[dreg:$0x1] =	wrdreg $0xFFFFFFFF  }
0xa7: {  	s28 =	simm.s32 $_size_execute0_lowered;
	s3 =	sadd.s32 s3, s5;
	[dreg:$0x0] =	wrdreg $0x0  }
0xa8: {  	s5 =	sshll.u32 s28, $0x1;
	[dreg:$0x2] =	wrdreg s3  }
0xa9: {  	[dreg:$0x3] =	wrdreg s5  }
0xaa: {  	[dreg:$0x4] =	wrdreg $0xC0  }
0xab: {  	_ =	task [dreg:s7], $0x5FFFF  }
0xac: {  	[dreg:$0x1] =	wrdreg $0xFFFFFFFF  }
0xad: {  	[dreg:$0x0] =	wrdreg $0x60  }
0xae: {  	[dreg:$0x2] =	wrdreg s24  }
0xaf: {  	[dreg:$0x3] =	wrdreg s2  }
0xb0: {  	[dreg:$0x4] =	wrdreg $0x24800  }
0xb1: {  	[dreg:$0x5] =	wrdreg $0x24900  }
0xb2: {  	[dreg:$0x6] =	wrdreg $0x9  }
0xb3: {  	_ =	task.clear_ibuf [dreg:s7], $0x7FFFF;
	_ =	strace $0x90000046  }
0xb4: {  	s29 =	simm.s32 $0x9;
	_ =	strace $0x80000048  }
0xb5: {  	_ =	swait.ge [sflag:s29], $0x1  }
0xb6: {  	[sflag:s29] =	ssyncadd.s32 $0xFFFFFFFF  }
0xb7: {  	_ =	strace $0x90000048  }
0xb8: {  	_ =	sfence  }
0xb9: {  	s30 =	sld [smem:$0x0];
	_ =	sdelay $0x2  }
0xba: {  	s31 =	sshll.u32 s1, $0xD;
	s1 =	sshrl.u32 s1, $0x2  }
0xbb: {  	s3 =	sand.u32 $0x4000, s31;
	s1 =	sadd.s32 s1, s30  }
0xbc: {  	s0 =	sor.u32 s3, s0;
	s1 =	sshll.u32 s1, $0x11  }
0xbd: {  	s0 =	sor.u32 s1, s0  }
0xbe: {  	s0 =	sadd.s32 $0x8F2B, s0  }
0xbf: {  	[sflag:s0] =	ssyncadd.remote.s32 $0x1  }
0xc0: {  	_ =	sfence.sel $0xFFFF  }
0xc1: {  	[dreg:$0x0] =	wrdreg $0xFFFFFFFF;
	(pc) =	sbr.abs _section_cstart, $3  }
0xc2: {  	[dreg:$0x1] =	wrdreg $0xFFFFFFFF  }
0xc3: {  	_ =	task.clear_ibuf [dreg:s7], $0x2FFFF;
	_ =	strace $0x9FFFFFFF  }
0xc4: {  	(tm) =	ssettm $0x7FFFFFFF  }
0xc5: {  	_ =	shalt  }
tec
execute0_lowered:
.L_overlay_start_1:
0x0: {  	(tag) =	ssettag $0x1  }
0x1: {  	s2 =	srdreg.scid  }
0x2: {  	s2 =	sand.u32 $0x1, s2  }
0x3: {  	s5 =	rddreg [dreg:$0x0];
	p0 =	seq.s32 s2, $0x1  }
.Ltmp0:
0x4: {  	s1 =	rddreg [dreg:$0x1];
	(pc) =	sbr.rel @p0 .LBB2_6-.Ltmp0, $4  }
0x5: {  	s6 =	rddreg [dreg:$0x2]  }
0x6: {  	s3 =	rddreg [dreg:$0x3];
	s7 =	simm.s32 $0x0  }
0x7: {  	[smem:$0x7FF] =	sst s7  }
0x8: {  	s0 =	rddreg [dreg:$0x4];
	_ =	strace $0x80000047;
	s2 =	stileid.u32  }
0x9: {  	s4 =	smul.u32 $0x78, s2;
	_ =	sdelay $0x1  }
0xa: {  	s8 =	sadd.s32 $0x4600, s5;
	v0 =	vimm.f32 $0.0e+00;
	s4 =	sshrl.u32 s4, $0x3  }
0xb: {  	[tilespmem:$0x70] =	vst v0;
	s8 =	sadd.s32 s8, s4;
	s4 =	simm.s32 $0x1  }
0xc: {  	[tilespmem:s7], [sflag:$0x1] =	stream.linear.gather [hbm4b:s8+s7], $0x78, $0x38;
	[tilespmem:$0x24A0] =	vst v63  }
0xd: {  	_ =	swait.ge [sflag:s4], $0x78  }
0xe: {  	[sflag:s4] =	ssyncset.done $0x0  }
0xf: {  	[sflag:s4] =	ssyncadd.s32 $0xFFFFFF88  }
0x10: {  	s10 =	simm.s32 $0x80;
	s9 =	sadd.s32 $0xF0, s8;
	[tilespmem:$0xF0] =	vst v0  }
0x11: {  	[tilespmem:s10], [sflag:$0x1] =	stream.linear.gather [hbm4b:s9+s7], $0x78, $0x38;
	[tilespmem:$0x24A0] =	vst v63  }
0x12: {  	_ =	swait.ge [sflag:s4], $0x78  }
0x13: {  	[sflag:s4] =	ssyncset.done $0x0  }
0x14: {  	[sflag:s4] =	ssyncadd.s32 $0xFFFFFF88  }
0x15: {  	s22 =	simm.s32 $0x100;
	s21 =	sadd.s32 $0x1E0, s8;
	[tilespmem:$0x170] =	vst v0  }
0x16: {  	[tilespmem:s22], [sflag:$0x1] =	stream.linear.gather [hbm4b:s21+s7], $0x78, $0x38;
	[tilespmem:$0x24A0] =	vst v63  }
0x17: {  	_ =	swait.ge [sflag:s4], $0x78  }
0x18: {  	[sflag:s4] =	ssyncset.done $0x0  }
0x19: {  	[sflag:s4] =	ssyncadd.s32 $0xFFFFFF88  }
0x1a: {  	s24 =	simm.s32 $0x180;
	s23 =	sadd.s32 $0x2D0, s8;
	[tilespmem:$0x1F0] =	vst v0  }
0x1b: {  	[tilespmem:s24], [sflag:$0x1] =	stream.linear.gather [hbm4b:s23+s7], $0x78, $0x38;
	[tilespmem:$0x24A0] =	vst v63  }
0x1c: {  	_ =	swait.ge [sflag:s4], $0x78  }
0x1d: {  	[sflag:s4] =	ssyncset.done $0x0  }
0x1e: {  	[sflag:s4] =	ssyncadd.s32 $0xFFFFFF88  }
0x1f: {  	s25 =	simm.s32 $0x200;
	s8 =	sadd.s32 $0x3C0, s8;
	[tilespmem:$0x270] =	vst v0  }
0x20: {  	[tilespmem:s25], [sflag:$0x1] =	stream.linear.gather [hbm4b:s8+s7], $0x78, $0x38;
	[tilespmem:$0x24A0] =	vst v63  }
0x21: {  	_ =	swait.ge [sflag:s4], $0x78  }
0x22: {  	[sflag:s4] =	ssyncset.done $0x0  }
0x23: {  	[sflag:s4] =	ssyncadd.s32 $0xFFFFFF88  }
0x24: {  	v1 =	vld [tilespmem:$0x0]  }
0x25: {  	v2 =	vld [tilespmem:$0x80]  }
0x26: {  	v3 =	vld [tilespmem:$0x100]  }
0x27: {  	v4 =	vld [tilespmem:$0x180]  }
0x28: {  	v5 =	vld [tilespmem:$0x200]  }
0x29: {  	v6 =	vld [tilespmem:$0x10]  }
0x2a: {  	v7 =	vld [tilespmem:$0x90]  }
0x2b: {  	v8 =	vld [tilespmem:$0x110]  }
0x2c: {  	v9 =	vld [tilespmem:$0x190]  }
0x2d: {  	v10 =	vld [tilespmem:$0x210]  }
0x2e: {  	v11 =	vld [tilespmem:$0x20]  }
0x2f: {  	v12 =	vld [tilespmem:$0xA0]  }
0x30: {  	v13 =	vld [tilespmem:$0x120]  }
0x31: {  	v14 =	vld [tilespmem:$0x1A0]  }
0x32: {  	v15 =	vld [tilespmem:$0x220]  }
0x33: {  	v16 =	vld [tilespmem:$0x30]  }
0x34: {  	v17 =	vld [tilespmem:$0xB0]  }
0x35: {  	v18 =	vld [tilespmem:$0x130]  }
0x36: {  	v19 =	vld [tilespmem:$0x1B0]  }
0x37: {  	v45 =	vld [tilespmem:$0x60]  }
0x38: {  	v48 =	vld [tilespmem:$0x70];
	v1 =	vadd.f32 $0.0e+00, v1;
	v6 =	vadd.f32 $0.0e+00, v6  }
0x39: {  	v20 =	vld [tilespmem:$0x230];
	v33 =	vadd.f32 $0.0e+00, v11  }
0x3a: {  	v32 =	vld [tilespmem:$0x40];
	v1 =	vadd.f32 v2, v1;
	v2 =	vadd.f32 v7, v6  }
0x3b: {  	v34 =	vld [tilespmem:$0xC0];
	v39 =	vadd.f32 $0.0e+00, v16  }
0x3c: {  	v50 =	vld [tilespmem:$0xF0];
	v7 =	vadd.f32 v12, v33;
	v2 =	vadd.f32 v8, v2  }
0x3d: {  	v35 =	vld [tilespmem:$0x1C0];
	v51 =	vadd.f32 $0.0e+00, v45;
	v11 =	vadd.f32 $0.0e+00, v48  }
0x3e: {  	v37 =	vld [tilespmem:$0x50];
	v7 =	vadd.f32 v13, v7;
	v2 =	vadd.f32 v9, v2  }
0x3f: {  	v38 =	vld [tilespmem:$0xD0];
	v41 =	vadd.f32 v17, v39;
	v1 =	vadd.f32 v3, v1  }
0x40: {  	v3 =	vld [tilespmem:$0x140];
	v7 =	vadd.f32 v14, v7;
	v2 =	vadd.f32 v10, v2  }
0x41: {  	v46 =	vld [tilespmem:$0xE0];
	v6 =	vadd.f32 $0.0e+00, v32;
	v56 =	vadd.f32 v50, v11  }
0x42: {  	v36 =	vld [tilespmem:$0x240];
	v1 =	vadd.f32 v4, v1;
	vm1 =	vgt.f32 v2, $0.0e+00;
	v2 =	vadd.f32 v15, v7  }
0x43: {  	v40 =	vld [tilespmem:$0x150];
	v6 =	vadd.f32 v34, v6;
	v9 =	vadd.f32 $0.0e+00, v37  }
0x44: {  	v49 =	vld [tilespmem:$0x160];
	v1 =	vadd.f32 v5, v1;
	vm10 =	vgt.f32 v2, $0.0e+00;
	v2 =	vadd.f32 v18, v41  }
0x45: {  	v52 =	vld [tilespmem:$0x1E0];
	v5 =	vadd.f32 v38, v9;
	v3 =	vadd.f32 v3, v6  }
0x46: {  	vm0 =	vgt.f32 v1, $0.0e+00;
	v1 =	vld [tilespmem:$0x1D0];
	v7 =	vadd.f32 v46, v51;
	v2 =	vadd.f32 v19, v2  }
0x47: {  	v53 =	vld [tilespmem:$0x170];
	v43 =	vsel vm0, $0x3F800000, v0;
	v44 =	vsel vm1, $0x3F800000, v0;
	v3 =	vadd.f32 v35, v3  }
0x48: {  	v42 =	vld [tilespmem:$0x250];
	v13 =	vadd.f32 v44, v43;
	v2 =	vadd.f32 v20, v2  }
0x49: {  	v54 =	vld [tilespmem:$0x260];
	v5 =	vadd.f32 v40, v5;
	v55 =	vadd.f32 v49, v7;
	v47 =	vsel vm10, $0x3F800000, v0  }
0x4a: {  	v13 =	vadd.f32 v47, v13;
	vm11 =	vgt.f32 v2, $0.0e+00;
	v2 =	vadd.f32 v36, v3;
	v3 =	vld [tilespmem:$0x1F0]  }
0x4b: {  	v4 =	vadd.f32 v52, v55;
	v1 =	vadd.f32 v1, v5  }
0x4c: {  	v5 =	vadd.f32 v53, v56;
	v57 =	vsel vm11, $0x3F800000, v0;
	vm12 =	vgt.f32 v2, $0.0e+00;
	v2 =	vld [tilespmem:$0x270]  }
0x4d: {  	v1 =	vadd.f32 v42, v1;
	v6 =	vadd.f32 v57, v13  }
0x4e: {  	v4 =	vadd.f32 v54, v4;
	v58 =	vsel vm12, $0x3F800000, v0  }
0x4f: {  	vm13 =	vgt.f32 v1, $0.0e+00;
	v6 =	vadd.f32 v58, v6;
	v3 =	vadd.f32 v3, v5  }
0x50: {  	v1 =	vsel vm13, $0x3F800000, v0  }
0x51: {  	vm14 =	vgt.f32 v4, $0.0e+00;
	v1 =	vadd.f32 v1, v6;
	v2 =	vadd.f32 v2, v3  }
0x52: {  	v3 =	vsel vm14, $0x3F800000, v0  }
0x53: {  	v1 =	vadd.f32 v3, v1;
	vm15 =	vgt.f32 v2, $0.0e+00  }
0x54: {  	v2 =	vsel vm15, $0x3F800000, v0  }
0x55: {  	v1 =	vadd.f32 v2, v1  }
0x56: {  	s26 =	sshll.u32 s2, $0x4  }
0x57: {  	s29 =	simm.s32 $0x280;
	s28 =	sadd.s32 s26, s6;
	[tilespmem:$0x280] =	vst v1  }
0x58: {  	[spmem:s28] =	stream.linear.scatter [tilespmem:s29], [sflag:$0x1], $0x10, $0x38;
	[tilespmem:$0x24A0] =	vst v63  }
0x59: {  	_ =	swait.ge [sflag:s4], $0x10  }
0x5a: {  	[sflag:s4] =	ssyncset.done $0x0  }
0x5b: {  	[sflag:s4] =	ssyncadd.s32 $0xFFFFFFF0  }
0x5c: {  	s30 =	simm.s32 $0x290;
	[bflag:$0x0] =	sbarrier.arrive $0xFFFF  }
0x5d: {  	[tilespmem:s30], [sflag:$0x1] =	stream.linear.gather [spmem:s6], $0x100, $0x38;
	[tilespmem:$0x24A0] =	vst v63  }
0x5e: {  	_ =	swait.ge [sflag:s4], $0x100  }
0x5f: {  	[sflag:s4] =	ssyncset.done $0x0  }
0x60: {  	[sflag:s4] =	ssyncadd.s32 $0xFFFFFF00  }
0x61: {  	v1 =	vld [tilespmem:$0x290];
	_ =	sdelay $0x1  }
0x62: {  	v2 =	vld [tilespmem:$0x2A0];
	_ =	sdelay $0x1  }
0x63: {  	v3 =	vld [tilespmem:$0x2B0]  }
0x64: {  	v1 =	vadd.f32 $0.0e+00, v1  }
0x65: {  	v59 =	vld [tilespmem:$0x2C0]  }
0x66: {  	v1 =	vadd.f32 v2, v1  }
0x67: {  	v2 =	vld [tilespmem:$0x2D0]  }
0x68: {  	v1 =	vadd.f32 v3, v1  }
0x69: {  	v3 =	vld [tilespmem:$0x2E0]  }
0x6a: {  	v1 =	vadd.f32 v59, v1  }
0x6b: {  	v60 =	vld [tilespmem:$0x2F0]  }
0x6c: {  	v1 =	vadd.f32 v2, v1  }
0x6d: {  	v2 =	vld [tilespmem:$0x300]  }
0x6e: {  	v1 =	vadd.f32 v3, v1  }
0x6f: {  	v3 =	vld [tilespmem:$0x310]  }
0x70: {  	v1 =	vadd.f32 v60, v1  }
0x71: {  	v61 =	vld [tilespmem:$0x320]  }
0x72: {  	v1 =	vadd.f32 v2, v1  }
0x73: {  	v2 =	vld [tilespmem:$0x330]  }
0x74: {  	v1 =	vadd.f32 v3, v1  }
0x75: {  	v3 =	vld [tilespmem:$0x340]  }
0x76: {  	v1 =	vadd.f32 v61, v1  }
0x77: {  	v62 =	vld [tilespmem:$0x350]  }
0x78: {  	v1 =	vadd.f32 v2, v1  }
0x79: {  	v2 =	vld [tilespmem:$0x360]  }
0x7a: {  	v1 =	vadd.f32 v3, v1  }
0x7b: {  	v3 =	vld [tilespmem:$0x370]  }
0x7c: {  	v1 =	vadd.f32 v62, v1  }
0x7d: {  	v63 =	vld [tilespmem:$0x380]  }
0x7e: {  	v1 =	vadd.f32 v2, v1;
	_ =	sdelay $0x1  }
0x7f: {  	v1 =	vadd.f32 v3, v1;
	_ =	sdelay $0x1  }
0x80: {  	v1 =	vadd.f32 v63, v1;
	_ =	sdelay $0x1  }
0x81: {  	(xrf2) =	vadd.scan.msk.f32 $0xffff, v1;
	_ =	sdelay $0x9  }
0x82: {  	v1, _, _ =	vpop (xrf2)  }
0x83: {  	(v2sf) =	vpush v1, $0xF;
	_ =	sdelay $0xe  }
0x84: {  	s31 =	spop (v2sf)  }
0x85: {  	p0 =	sgt.f32 s31, $0.0e+00  }
.Ltmp1:
0x86: {  	_ = 	snop;
	(pc) =	sbr.rel @!p0 .LBB2_5-.Ltmp1, $2  }
0x87: {  	_ =	sdelay $0x2  }
0x88: {  	s6 =	sadd.s32 s26, s3;
	[tilespmem:$0x2460] =	vst v0  }
0x89: {  	s7 =	smul.u32 $0x41A, s2;
	_ =	sdelay $0x1  }
0x8a: {  	s5 =	sadd.s32 s7, s5  }
0x8b: {  	s23 =	simm.s32 $0x0;
	s8 =	simm.s32 $0x390;
	s5 =	sadd.s32 $0x400, s5  }
0x8c: {  	[tilespmem:s8], [sflag:$0x1] =	stream.linear.gather [hbm4b:s5+s23], $0x20D0, $0x38;
	[tilespmem:$0x24A0] =	vst v63  }
0x8d: {  	_ =	swait.ge [sflag:s4], $0x20D0  }
0x8e: {  	[sflag:s4] =	ssyncset.done $0x0  }
0x8f: {  	s24 =	simm.s32 $0x0;
	[sflag:s4] =	ssyncadd.s32 $0xFFFFDF30  }
0x90: {  	v6 =	vld [tilespmem:s24+$0x390];
	_ =	sdelay $0x4  }
0x91: {  	s25 =	simm.s32 $0x10;
	v1 =	vand.u32 $0x7FFFFFFF, v6  }
0x92: {  	v5 =	vld [tilespmem:s25+$0x390];
	v1 =	vsub.f32 $0.0e+00, v1;
	_ =	sdelay $0x1  }
0x93: {  	v1 =	vmul.f32 $1.442695020e+00, v1;
	_ =	sdelay $0x1  }
0x94: {  	(erf) = vpow2.f32 v1  }
0x95: {  	s26 =	simm.s32 $0x20;
	v1 =	vand.u32 $0x7FFFFFFF, v5  }
0x96: {  	v2 =	vld [tilespmem:s26+$0x390];
	v1 =	vsub.f32 $0.0e+00, v1;
	_ =	sdelay $0x1  }
0x97: {  	v1 =	vmul.f32 $1.442695020e+00, v1;
	_ =	sdelay $0x1  }
0x98: {  	(erf) = vpow2.f32 v1  }
0x99: {  	s28 =	simm.s32 $0x30;
	v1 =	vand.u32 $0x7FFFFFFF, v2  }
0x9a: {  	v4 =	vld [tilespmem:s28+$0x390];
	v1 =	vsub.f32 $0.0e+00, v1  }
0x9b: {  	v10 =	vpop (erf)  }
0x9c: {  	v1 =	vmul.f32 $1.442695020e+00, v1;
	v3 =	vmul.f32 $2.000000030e-01, v10;
	_ =	sdelay $0x1  }
0x9d: {  	(erf) = vpow2.f32 v1;
	v1 =	vadd.f32 $-2.500000000e-01, v3  }
0x9e: {  	s29 =	simm.s32 $0x40;
	v7 =	vand.u32 $0x7FFFFFFF, v4  }
0x9f: {  	v3 =	vsub.f32 $0.0e+00, v7;
	v7 =	vmul.f32 v1, v10;
	v1 =	vld [tilespmem:s29+$0x390]  }
0xa0: {  	v9 =	vpop (erf)  }
0xa1: {  	v3 =	vmul.f32 $1.442695020e+00, v3;
	v8 =	vmul.f32 $2.000000030e-01, v9  }
0xa2: {  	s30 =	simm.s32 $0x50  }
0xa3: {  	v7 =	vadd.f32 $3.333333430e-01, v7;
	(erf) = vpow2.f32 v3;
	v3 =	vld [tilespmem:s30+$0x390];
	v8 =	vadd.f32 $-2.500000000e-01, v8  }
0xa4: {  	v11 =	vand.u32 $0x7FFFFFFF, v1  }
0xa5: {  	v7 =	vmul.f32 v7, v10;
	v11 =	vsub.f32 $0.0e+00, v11  }
0xa6: {  	v12 =	vmul.f32 v8, v9  }
0xa7: {  	v7 =	vadd.f32 $-5.000000000e-01, v7;
	v8 =	vpop (erf);
	v11 =	vmul.f32 $1.442695020e+00, v11  }
0xa8: {  	v12 =	vadd.f32 $3.333333430e-01, v12;
	v14 =	vand.u32 $0x7FFFFFFF, v3;
	v13 =	vmul.f32 $2.000000030e-01, v8  }
0xa9: {  	v7 =	vmul.f32 v7, v10;
	(erf) = vpow2.f32 v11;
	v11 =	vsub.f32 $0.0e+00, v14  }
0xaa: {  	s31 =	simm.s32 $0x60;
	v12 =	vmul.f32 v12, v9;
	v13 =	vadd.f32 $-2.500000000e-01, v13  }
0xab: {  	v15 =	vadd.f32 $1.000000000e+00, v7;
	v14 =	vmul.f32 $1.442695020e+00, v11;
	v11 =	vmax.f32 v6, $0.0e+00;
	v6 =	vld [tilespmem:s31+$0x390];
	_ =	sdelay $0x1  }
0xac: {  	v16 =	vadd.f32 $-5.000000000e-01, v12;
	v13 =	vmul.f32 v13, v8;
	v7 =	vpop (erf);
	v15 =	vmul.f32 v15, v10  }
0xad: {  	v10 =	vmul.f32 $2.000000030e-01, v7  }
0xae: {  	s5 =	simm.s32 $0x1C0;
	v12 =	vadd.f32 $3.333333430e-01, v13;
	v13 =	vmul.f32 v16, v9;
	v11 =	vadd.f32 v15, v11  }
.LBB2_3:
0xaf: {  	s7 =	sshra.s32 s5, $0x2;
	v15 =	vand.u32 $0x7FFFFFFF, v6;
	(erf) = vpow2.f32 v14;
	v10 =	vadd.f32 $-2.500000000e-01, v10;
	v16 =	vmovc v3;
	v3 =	vmovc v6;
	p0 =	sne.s32 s5, $0x8300  }
.Ltmp2:
0xb0: {  	v14 =	vmovc v9;
	v9 =	vmovc v8;
	v6 =	vld [tilespmem:s7+$0x390];
	v12 =	vmul.f32 v12, v8;
	v13 =	vadd.f32 $1.000000000e+00, v13;
	v11 =	vmul.f32 $0.0e+00, v11;
	(pc) =	sbr.rel @p0 .LBB2_3-.Ltmp2, $4  }
0xb1: {  	s5 =	sadd.s32 $0x40, s5;
	v15 =	vsub.f32 $0.0e+00, v15;
	v8 =	vmov v7;
	v17 =	vmul.f32 v10, v7  }
0xb2: {  	v7 =	vpop (erf);
	v18 =	vadd.f32 $-5.000000000e-01, v12;
	v19 =	vmul.f32 v13, v14;
	v0 =	vadd.f32 v11, v0  }
0xb3: {  	v14 =	vmul.f32 $1.442695020e+00, v15;
	v11 =	vmax.f32 v5, $0.0e+00;
	v5 =	vmovc v2;
	v2 =	vmovc v4;
	v10 =	vmul.f32 $2.000000030e-01, v7  }
0xb4: {  	v4 =	vmovc v1;
	v1 =	vmovc v16;
	v12 =	vadd.f32 $3.333333430e-01, v17;
	v13 =	vmul.f32 v18, v9;
	v11 =	vadd.f32 v19, v11  }
0xb5: {  	v15 =	vand.u32 $0x7FFFFFFF, v6  }
0xb6: {  	v15 =	vsub.f32 $0.0e+00, v15;
	_ =	sdelay $0x1  }
0xb7: {  	(erf) = vpow2.f32 v14;
	v35 =	vmul.f32 $1.442695020e+00, v15;
	_ =	sdelay $0x1  }
0xb8: {  	(erf) = vpow2.f32 v35;
	_ =	sdelay $0x4  }
0xb9: {  	v10 =	vadd.f32 $-2.500000000e-01, v10;
	v36 =	vpop (erf)  }
0xba: {  	v37 =	vmul.f32 $2.000000030e-01, v36  }
0xbb: {  	v5 =	vmax.f32 v5, $0.0e+00;
	v2 =	vmax.f32 v2, $0.0e+00;
	v10 =	vmul.f32 v10, v7;
	v16 =	vpop (erf)  }
0xbc: {  	v4 =	vmax.f32 v4, $0.0e+00;
	v15 =	vadd.f32 $-2.500000000e-01, v37;
	v17 =	vmul.f32 $2.000000030e-01, v16  }
0xbd: {  	v12 =	vmul.f32 v12, v8;
	v13 =	vadd.f32 $1.000000000e+00, v13;
	v10 =	vadd.f32 $3.333333430e-01, v10;
	v38 =	vpop (erf)  }
0xbe: {  	v15 =	vmul.f32 v15, v36;
	v17 =	vadd.f32 $-2.500000000e-01, v17;
	v18 =	vmul.f32 $2.000000030e-01, v38  }
0xbf: {  	v11 =	vmul.f32 $0.0e+00, v11;
	v12 =	vadd.f32 $-5.000000000e-01, v12;
	v10 =	vmul.f32 v10, v7  }
0xc0: {  	v40 =	vadd.f32 $3.333333430e-01, v15;
	v41 =	vmul.f32 v17, v16;
	v42 =	vadd.f32 $-2.500000000e-01, v18  }
0xc1: {  	v9 =	vmul.f32 v13, v9;
	v39 =	vmul.f32 v12, v8;
	v10 =	vadd.f32 $-5.000000000e-01, v10  }
0xc2: {  	v12 =	vmul.f32 v40, v36;
	v15 =	vadd.f32 $3.333333430e-01, v41;
	v17 =	vmul.f32 v42, v38  }
0xc3: {  	v0 =	vadd.f32 v11, v0;
	v11 =	vadd.f32 $1.000000000e+00, v39;
	v44 =	vmul.f32 v10, v7  }
0xc4: {  	v45 =	vadd.f32 $-5.000000000e-01, v12;
	v46 =	vmul.f32 v15, v16;
	v47 =	vadd.f32 $3.333333430e-01, v17  }
0xc5: {  	v5 =	vadd.f32 v9, v5;
	v43 =	vmul.f32 v11, v8;
	v9 =	vadd.f32 $1.000000000e+00, v44  }
0xc6: {  	v10 =	vmul.f32 v45, v36;
	v11 =	vadd.f32 $-5.000000000e-01, v46;
	v12 =	vmul.f32 v47, v38  }
0xc7: {  	v5 =	vmul.f32 $0.0e+00, v5;
	v2 =	vadd.f32 v43, v2;
	v48 =	vmul.f32 v9, v7  }
0xc8: {  	v49 =	vadd.f32 $1.000000000e+00, v10;
	v50 =	vmul.f32 v11, v16;
	v51 =	vadd.f32 $-5.000000000e-01, v12  }
0xc9: {  	v0 =	vadd.f32 v5, v0;
	v2 =	vmul.f32 $0.0e+00, v2;
	v4 =	vadd.f32 v48, v4  }
0xca: {  	v52 =	vmul.f32 v49, v36;
	v53 =	vadd.f32 $1.000000000e+00, v50;
	v54 =	vmul.f32 v51, v38  }
0xcb: {  	v1 =	vmax.f32 v1, $0.0e+00;
	v0 =	vadd.f32 v2, v0;
	v55 =	vmul.f32 $0.0e+00, v4  }
0xcc: {  	v1 =	vadd.f32 v52, v1;
	v56 =	vmul.f32 v53, v16;
	v57 =	vadd.f32 $1.000000000e+00, v54  }
0xcd: {  	v58 =	vmax.f32 v3, $0.0e+00;
	v0 =	vadd.f32 v55, v0  }
0xce: {  	v1 =	vmul.f32 $0.0e+00, v1;
	v2 =	vadd.f32 v56, v58;
	v59 =	vmul.f32 v57, v38  }
0xcf: {  	v60 =	vmax.f32 v6, $0.0e+00  }
0xd0: {  	v0 =	vadd.f32 v1, v0;
	v61 =	vmul.f32 $0.0e+00, v2;
	v62 =	vadd.f32 v59, v60;
	_ =	sdelay $0x1  }
0xd1: {  	v0 =	vadd.f32 v61, v0;
	v63 =	vmul.f32 $0.0e+00, v62;
	_ =	sdelay $0x1  }
0xd2: {  	v0 =	vadd.f32 v63, v0;
	_ =	sdelay $0x1  }
0xd3: {  	[tilespmem:$0x2460] =	vst v0  }
.LBB2_5:
0xd4: {  	s5 =	simm.s32 $0x2460  }
0xd5: {  	[spmem:s6] =	stream.linear.scatter [tilespmem:s5], [sflag:$0x1], $0x10, $0x38;
	[tilespmem:$0x24A0] =	vst v63  }
0xd6: {  	_ =	swait.ge [sflag:s4], $0x10  }
0xd7: {  	[sflag:s4] =	ssyncset.done $0x0  }
0xd8: {  	p0 =	sne.s32 s2, $0x0;
	[sflag:s4] =	ssyncadd.s32 $0xFFFFFFF0  }
0xd9: {  	s4 =	simm.s32 @!p0 $0x290;
	[bflag:$0x0] =	sbarrier.arrive $0xFFFF  }
0xda: {  	[tilespmem:s4], [sflag:$0x1] =	stream.linear.gather @!p0 [spmem:s3], $0x100, $0x38;
	[tilespmem:$0x24A0] =	vst v63  }
0xdb: {  	s3 =	simm.s32 @!p0 $0x1  }
0xdc: {  	_ =	swait.ge @!p0 [sflag:s3], $0x100  }
0xdd: {  	[sflag:s3] =	ssyncset.done @!p0 $0x0  }
0xde: {  	[sflag:s3] =	ssyncadd.s32 @!p0 $0xFFFFFF00  }
0xdf: {  	v0 =	vld @!p0 [tilespmem:$0x290];
	_ =	sdelay $0x1  }
0xe0: {  	v1 =	vld @!p0 [tilespmem:$0x2A0];
	_ =	sdelay $0x1  }
0xe1: {  	v2 =	vld @!p0 [tilespmem:$0x2B0]  }
0xe2: {  	v0 =	vadd.f32 @!p0 $0.0e+00, v0  }
0xe3: {  	v3 =	vld @!p0 [tilespmem:$0x2C0]  }
0xe4: {  	v0 =	vadd.f32 @!p0 v1, v0  }
0xe5: {  	v1 =	vld @!p0 [tilespmem:$0x2D0]  }
0xe6: {  	v0 =	vadd.f32 @!p0 v2, v0  }
0xe7: {  	v2 =	vld @!p0 [tilespmem:$0x2E0]  }
0xe8: {  	v0 =	vadd.f32 @!p0 v3, v0  }
0xe9: {  	v3 =	vld @!p0 [tilespmem:$0x2F0]  }
0xea: {  	v0 =	vadd.f32 @!p0 v1, v0  }
0xeb: {  	v1 =	vld @!p0 [tilespmem:$0x300]  }
0xec: {  	v0 =	vadd.f32 @!p0 v2, v0  }
0xed: {  	v2 =	vld @!p0 [tilespmem:$0x310]  }
0xee: {  	v0 =	vadd.f32 @!p0 v3, v0  }
0xef: {  	v3 =	vld @!p0 [tilespmem:$0x320]  }
0xf0: {  	v0 =	vadd.f32 @!p0 v1, v0  }
0xf1: {  	v1 =	vld @!p0 [tilespmem:$0x330]  }
0xf2: {  	v0 =	vadd.f32 @!p0 v2, v0  }
0xf3: {  	v2 =	vld @!p0 [tilespmem:$0x340]  }
0xf4: {  	v0 =	vadd.f32 @!p0 v3, v0  }
0xf5: {  	v3 =	vld @!p0 [tilespmem:$0x350]  }
0xf6: {  	v0 =	vadd.f32 @!p0 v1, v0  }
0xf7: {  	v1 =	vld @!p0 [tilespmem:$0x360]  }
0xf8: {  	v0 =	vadd.f32 @!p0 v2, v0  }
0xf9: {  	v2 =	vld @!p0 [tilespmem:$0x370]  }
0xfa: {  	v0 =	vadd.f32 @!p0 v3, v0  }
0xfb: {  	v3 =	vld @!p0 [tilespmem:$0x380]  }
0xfc: {  	v0 =	vadd.f32 @!p0 v1, v0;
	_ =	sdelay $0x1  }
0xfd: {  	v0 =	vadd.f32 @!p0 v2, v0;
	_ =	sdelay $0x1  }
0xfe: {  	v0 =	vadd.f32 @!p0 v3, v0;
	_ =	sdelay $0x1  }
0xff: {  	(xrf2) =	vadd.scan.msk.f32 @!p0 $0xffff, v0;
	_ =	sdelay $0x9  }
0x100: {  	v0, _, _ =	vpop @!p0 (xrf2)  }
0x101: {  	v0 =	vbroadcast @!p0 v0, $0xF  }
0x102: {  	vm0 =	vmmov @!p0 $0x1  }
0x103: {  	v0 =	vnsel @!p0 vm0, $0x0, v0  }
0x104: {  	s5 =	simm.s32 @!p0 $0x2470;
	s4 =	simm.s32 @!p0 $0x0;
	[tilespmem:$0x2470] =	vst @!p0 v0  }
0x105: {  	[hbm4b:s1+s4] =	stream.linear.scatter @!p0 [tilespmem:s5], [sflag:$0x1], $0x10, $0x38;
	[tilespmem:$0x24A0] =	vst v63  }
0x106: {  	_ =	swait.ge @!p0 [sflag:s3], $0x10  }
0x107: {  	[sflag:s3] =	ssyncset.done @!p0 $0x0  }
0x108: {  	[sflag:s3] =	ssyncadd.s32 @!p0 $0xFFFFFFF0  }
.LBB2_6:
0x109: {  	_ =	sfence.sel $0x180000  }
0x10a: {  	[bflag:$0x0] =	sbarrier.arrive $0xFFFF  }
0x10b: {  	p0 =	sne.s32 s2, $0x0;
	_ =	strace $0x90000047  }
0x10c: {  	s0 =	sadd.s32 @!p0 $0x100000, s0;
	[bflag:$0x2] =	sbarrier.arrive $0xFFFF  }
0x10d: {  	[sflag:s0] =	ssyncadd.tile.s32 @!p0 $0x1;
	_ =	shalt  }
.Lfunc_end2:
_tile_overlayer_lowered:
.L_overlay_start_2:
0x10e: {  	(tag) =	ssettag $0x2  }
0x10f: {  	s0 =	rddreg [dreg:$0x0];
	s2 =	stileid.u32  }
0x110: {  	s1 =	rddreg [dreg:$0x1];
	p0 =	sne.s32 s2, $0x0  }
0x111: {  	s3 =	rddreg [dreg:$0x2];
	[bflag:$0x3] =	sbarrier.arrive $0xFFFF;
	s2 =	simm.s32 @!p0 $0x1C01  }
0x112: {  	[timem:s3], [sflag:s2] =	dma.local @!p0 [hbm:s0], s1  }
0x113: {  	s0 =	simm.s32 @!p0 $0x1  }
0x114: {  	_ =	swait.ge @!p0 [sflag:s0], s1  }
0x115: {  	s1 =	ssub.s32 @!p0 $0x0, s1;
	[sflag:s0] =	ssyncset.done @!p0 $0x0  }
0x116: {  	[sflag:s0] =	ssyncadd.s32 @!p0 s1  }
0x117: {  	[bflag:$0x3] =	sbarrier.arrive $0xFFFF  }
0x118: {  	_ =	shalt  }

</sc_bundles>
